<compile_context>
chip_gen: v7x
topology: tpu7x:2x2x1
jax: 0.10.2.dev20260603
libtpu: 0.0.44.dev20260713+nightly
codegen_flags: <defaults>
</compile_context>

<pallas_src>
import functools
import jax
import jax.numpy as jnp
from jax import lax
from jax.experimental import pallas as pl
from jax.experimental.pallas import tpu as pltpu
from jax.experimental.pallas import tpu_sc as plsc

_T = 2048
_D = 1024
_E = 8
_K = 2
_F = 256
_BR = 256
_NB = (_K * _T) // _BR + (_E - 1)
_PR = _NB * _BR
_NW = 32
_TW = _T // _NW



def _shift_down(c, s):
    return jnp.concatenate([jnp.zeros((s,) + c.shape[1:], c.dtype), c[:-s]],
                           axis=0)


def _router_kernel(x_ref, gate_wt_ref, corr_ref,
                   xbf_ref, p_ref, w_ref, be_ref):
    bf = jnp.bfloat16
    x = x_ref[...].astype(bf)
    xbf_ref[...] = x

    logits = jnp.dot(x, gate_wt_ref[...].astype(bf),
                     preferred_element_type=jnp.float32)
    scores = jax.nn.softmax(logits, axis=-1)
    biased = scores + corr_ref[...]

    eidx = lax.broadcasted_iota(jnp.int32, (_T, _E), 1)
    m1 = jnp.max(biased, axis=-1, keepdims=True)
    i1 = jnp.min(jnp.where(biased == m1, eidx, _E), axis=-1, keepdims=True)
    b2 = jnp.where(eidx == i1, -jnp.inf, biased)
    m2 = jnp.max(b2, axis=-1, keepdims=True)
    i2 = jnp.min(jnp.where(b2 == m2, eidx, _E), axis=-1, keepdims=True)
    w1 = jnp.sum(jnp.where(eidx == i1, scores, 0.0), axis=-1, keepdims=True)
    w2 = jnp.sum(jnp.where(eidx == i2, scores, 0.0), axis=-1, keepdims=True)
    denom = w1 + w2
    w_ref[...] = jnp.concatenate([w1 / denom, w2 / denom], axis=1)

    oh = ((eidx == i1) | (eidx == i2)).astype(jnp.float32)
    csum = oh
    s = 1
    while s < _T:
        csum = csum + _shift_down(csum, s)
        s *= 2
    csum_ex = csum - oh
    counts = csum[_T - 1:_T, :]
    nb = jnp.floor((counts + (_BR - 1)) / _BR)
    acc = nb
    s = 1
    while s < _E:
        acc_s = jnp.concatenate(
            [jnp.zeros((1, s), acc.dtype), acc[:, :-s]], axis=1)
        acc = acc + acc_s
        s *= 2
    pof = acc - nb
    prow = pof * _BR

    pos_base = prow + csum_ex
    p1 = jnp.sum(jnp.where(eidx == i1, pos_base, 0.0), axis=-1, keepdims=True)
    p2 = jnp.sum(jnp.where(eidx == i2, pos_base, 0.0), axis=-1, keepdims=True)
    p_ref[...] = jnp.concatenate([p1, p2], axis=1).astype(jnp.int32)

    bidx = lax.broadcasted_iota(
        jnp.int32, (1, _NB + 9), 1).astype(jnp.float32)
    be = jnp.zeros((1, _NB + 9), jnp.float32)
    for e in range(_E):
        be = be + (bidx >= pof[:, e:e + 1]).astype(jnp.float32)
    be_ref[...] = jnp.clip(be - 1.0, 0.0, float(_E - 1)).astype(jnp.int32)


def _run_router(x, gate_wt, corr):
    return pl.pallas_call(
        _router_kernel,
        in_specs=[
            pl.BlockSpec((_T, _D), lambda: (0, 0)),
            pl.BlockSpec((_D, _E), lambda: (0, 0)),
            pl.BlockSpec((1, _E), lambda: (0, 0)),
        ],
        out_specs=[
            pl.BlockSpec((_T, _D), lambda: (0, 0)),
            pl.BlockSpec((_T, _K), lambda: (0, 0)),
            pl.BlockSpec((_T, _K), lambda: (0, 0)),
            pl.BlockSpec((1, _NB + 9), lambda: (0, 0)),
        ],
        out_shape=[
            jax.ShapeDtypeStruct((_T, _D), jnp.bfloat16),
            jax.ShapeDtypeStruct((_T, _K), jnp.int32),
            jax.ShapeDtypeStruct((_T, _K), jnp.float32),
            jax.ShapeDtypeStruct((1, _NB + 9), jnp.int32),
        ],
    )(x, gate_wt, corr)



def _dispatch(xi, p_sc):
    mesh = plsc.VectorSubcoreMesh(core_axis_name="c", subcore_axis_name="s")

    @functools.partial(
        pl.kernel, mesh=mesh,
        out_type=jax.ShapeDtypeStruct((_PR, _D), jnp.float32),
        scratch_types=[
            pltpu.VMEM((_TW,), jnp.int32),
            pltpu.VMEM((_TW,), jnp.int32),
            pltpu.VMEM((_TW, _D), jnp.float32),
            pltpu.SemaphoreType.DMA,
        ],
    )
    def k(xi_hbm, p_hbm, xs_hbm, idx0_v, idx1_v, rows_v, sem):
        wid = lax.axis_index("s") * 2 + lax.axis_index("c")
        base = wid * _TW
        pltpu.sync_copy(p_hbm.at[wid, 0], idx0_v)
        pltpu.sync_copy(p_hbm.at[wid, 1], idx1_v)
        pltpu.sync_copy(xi_hbm.at[pl.ds(base, _TW)], rows_v)
        pltpu.async_copy(rows_v, xs_hbm.at[idx0_v], sem).wait()
        pltpu.async_copy(rows_v, xs_hbm.at[idx1_v], sem).wait()

    return k(xi, p_sc)



def _gmm_kernel(be_ref, xs_ref, wg_ref, wu_ref, wd_ref, es_ref,
                wg_p, wu_p, wd_p):
    b = pl.program_id(0)
    bf = jnp.bfloat16

    changed = jnp.logical_or(
        b == 0, be_ref[b] != be_ref[jnp.maximum(b - 1, 0)])

    @pl.when(changed)
    def _cast_panels():
        wg_p[...] = wg_ref[0].astype(bf)
        wu_p[...] = wu_ref[0].astype(bf)
        wd_p[...] = wd_ref[0].astype(bf)

    xs = xs_ref[...].astype(bf)
    hg = jnp.dot(xs, wg_p[...], preferred_element_type=jnp.float32)
    hu = jnp.dot(xs, wu_p[...], preferred_element_type=jnp.float32)
    inter = (jax.nn.silu(hg) * hu).astype(bf)
    eo = jnp.dot(inter, wd_p[...], preferred_element_type=jnp.float32)
    es_ref[...] = eo.astype(bf).astype(jnp.float32)


def _run_gmm(be, xs, w_gate, w_up, w_down):
    grid_spec = pltpu.PrefetchScalarGridSpec(
        num_scalar_prefetch=1,
        grid=(_NB,),
        in_specs=[
            pl.BlockSpec((_BR, _D), lambda b, be: (b, 0)),
            pl.BlockSpec((1, _D, _F), lambda b, be: (be[b], 0, 0)),
            pl.BlockSpec((1, _D, _F), lambda b, be: (be[b], 0, 0)),
            pl.BlockSpec((1, _F, _D), lambda b, be: (be[b], 0, 0)),
        ],
        out_specs=pl.BlockSpec((_BR, _D), lambda b, be: (b, 0)),
        scratch_shapes=[
            pltpu.VMEM((_D, _F), jnp.bfloat16),
            pltpu.VMEM((_D, _F), jnp.bfloat16),
            pltpu.VMEM((_F, _D), jnp.bfloat16),
        ],
    )
    return pl.pallas_call(
        _gmm_kernel,
        grid_spec=grid_spec,
        out_shape=jax.ShapeDtypeStruct((_PR, _D), jnp.float32),
        compiler_params=pltpu.CompilerParams(
            dimension_semantics=("arbitrary",)),
    )(be, xs, w_gate, w_up, w_down)



def _combine_gather(es, p0f, p1f):
    mesh = plsc.VectorSubcoreMesh(core_axis_name="c", subcore_axis_name="s")

    @functools.partial(
        pl.kernel, mesh=mesh,
        out_type=[jax.ShapeDtypeStruct((_T, _D), jnp.float32),
                  jax.ShapeDtypeStruct((_T, _D), jnp.float32)],
        scratch_types=[
            pltpu.VMEM((_TW,), jnp.int32),
            pltpu.VMEM((_TW, _D), jnp.float32),
            pltpu.SemaphoreType.DMA,
        ],
    )
    def k(es_hbm, p0_hbm, p1_hbm, g0_hbm, g1_hbm, idx_v, rows_v, sem):
        wid = lax.axis_index("s") * 2 + lax.axis_index("c")
        base = wid * _TW
        pltpu.sync_copy(p0_hbm.at[pl.ds(base, _TW)], idx_v)
        pltpu.async_copy(es_hbm.at[idx_v], rows_v, sem).wait()
        pltpu.sync_copy(rows_v, g0_hbm.at[pl.ds(base, _TW)])
        pltpu.sync_copy(p1_hbm.at[pl.ds(base, _TW)], idx_v)
        pltpu.async_copy(es_hbm.at[idx_v], rows_v, sem).wait()
        pltpu.sync_copy(rows_v, g1_hbm.at[pl.ds(base, _TW)])

    return k(es, p0f, p1f)



_BT = 512


def _final_kernel(x_ref, g0_ref, g1_ref, w_ref, sg_ref, su_ref, sd_ref,
                  out_ref):
    bf = jnp.bfloat16
    x = x_ref[...]
    hg = jnp.dot(x, sg_ref[...], preferred_element_type=jnp.float32)
    hu = jnp.dot(x, su_ref[...], preferred_element_type=jnp.float32)
    inter = (jax.nn.silu(hg) * hu).astype(bf)
    shared = jnp.dot(inter, sd_ref[...], preferred_element_type=jnp.float32)
    w = w_ref[...].astype(bf).astype(jnp.float32)
    out_ref[...] = (shared + w[:, 0:1] * g0_ref[...]
                    + w[:, 1:2] * g1_ref[...])


def _run_final(xbf, g0, g1, w, sh_gate, sh_up, sh_down):
    bf = jnp.bfloat16
    return pl.pallas_call(
        _final_kernel,
        grid=(_T // _BT,),
        in_specs=[
            pl.BlockSpec((_BT, _D), lambda i: (i, 0)),
            pl.BlockSpec((_BT, _D), lambda i: (i, 0)),
            pl.BlockSpec((_BT, _D), lambda i: (i, 0)),
            pl.BlockSpec((_BT, _K), lambda i: (i, 0)),
            pl.BlockSpec((_D, _F), lambda i: (0, 0)),
            pl.BlockSpec((_D, _F), lambda i: (0, 0)),
            pl.BlockSpec((_F, _D), lambda i: (0, 0)),
        ],
        out_specs=pl.BlockSpec((_BT, _D), lambda i: (i, 0)),
        out_shape=jax.ShapeDtypeStruct((_T, _D), jnp.float32),
    )(xbf, g0, g1, w, sh_gate.astype(bf), sh_up.astype(bf),
      sh_down.astype(bf))


def kernel(hidden_states, visual_token_mask, gate_w, corr_bias, w_gate, w_up,
           w_down, sh_gate, sh_up, sh_down):
    x = hidden_states.reshape(-1, _D)
    gate_wt = gate_w.T
    corr = corr_bias.reshape(1, _E)

    xbf, p, w, be2 = _run_router(x, gate_wt, corr)
    p_sc = p.reshape(_NW, _TW, _K).transpose(0, 2, 1)
    xs = _dispatch(x, p_sc)
    be = be2.reshape(_NB + 9)[:_NB]
    es = _run_gmm(be, xs, w_gate, w_up, w_down)
    p0f = p[:, 0].reshape(_T)
    p1f = p[:, 1].reshape(_T)
    g0, g1 = _combine_gather(es, p0f, p1f)
    out = _run_final(xbf, g0, g1, w, sh_gate, sh_up, sh_down)
    return out.reshape(hidden_states.shape)

# --- scband reference (transcript-rebuilt; emitter-appended) ---
"""Pipeline reference for scband-ernie4-5-vlmoe-decoder-layer-9294309228909 (READ-ONLY COPY).

The authoritative reference and input builder live on the scoring server;
editing this copy changes nothing except your own understanding.
"""

import jax, jax.numpy as jnp
import numpy as np

T = 2048
D = 1024
E = 8
K = 2
F = 256


def setup_inputs(seed: int = 0) -> dict:
    key = jax.random.key(seed)
    ks = jax.random.split(key, 10)
    return {
        "hidden_states": jax.random.normal(ks[0], (T, D), dtype=jnp.float32),
        "visual_token_mask": jnp.zeros((T,), dtype=bool),
        "gate_w": jax.random.normal(ks[1], (E, D), dtype=jnp.float32) * 0.02,
        "corr_bias": jax.random.normal(ks[2], (E,), dtype=jnp.float32) * 0.01,
        "w_gate": jax.random.normal(ks[3], (E, D, F), dtype=jnp.float32) * 0.02,
        "w_up": jax.random.normal(ks[4], (E, D, F), dtype=jnp.float32) * 0.02,
        "w_down": jax.random.normal(ks[5], (E, F, D), dtype=jnp.float32) * 0.02,
        "sh_gate": jax.random.normal(ks[6], (D, F), dtype=jnp.float32) * 0.02,
        "sh_up": jax.random.normal(ks[7], (D, F), dtype=jnp.float32) * 0.02,
        "sh_down": jax.random.normal(ks[8], (F, D), dtype=jnp.float32) * 0.02,
    }


def reference(hidden_states, visual_token_mask, gate_w, corr_bias, w_gate, w_up, w_down, sh_gate, sh_up, sh_down):
    # Ernie4_5_VLMoeMoE forward, text path (visual_token_mask all-False).
    x = hidden_states.reshape(-1, D)

    # Shared expert MLP (SiLU gated), reduce_results=False equivalent
    shared_out = (jax.nn.silu(x @ sh_gate) * (x @ sh_up)) @ sh_down

    # Router gate in fp32 (ReplicatedLinear, no bias)
    router_logits = x.astype(jnp.float32) @ gate_w.T  # [T, E]
    scores = jax.nn.softmax(router_logits, axis=-1)

    # TopK with e_score_correction_bias: select on biased scores,
    # weights from original scores, renormalize
    biased = scores + corr_bias[None, :]
    _, topk_ids = jax.lax.top_k(biased, K)  # [T, K]
    topk_w = jnp.take_along_axis(scores, topk_ids, axis=-1)  # [T, K]
    topk_w = topk_w / jnp.sum(topk_w, axis=-1, keepdims=True)

    # Dense routing-weight matrix [T, E]: zero for unselected experts
    route = jnp.sum(jax.nn.one_hot(topk_ids, E, dtype=x.dtype) * topk_w[..., None].astype(x.dtype), axis=1)

    # Expert MLPs computed densely, masked/weighted by route (faithful math)
    h_g = jnp.einsum('td,edf->tef', x, w_gate)
    h_u = jnp.einsum('td,edf->tef', x, w_up)
    inter = jax.nn.silu(h_g) * h_u  # [T, E, F]
    expert_out = jnp.einsum('tef,efd->ted', inter, w_down)  # [T, E, D]
    moe_out = jnp.einsum('ted,te->td', expert_out, route)

    out = moe_out + shared_out
    return out.reshape(hidden_states.shape)

if __name__ == "__main__":
    import jax
    _d = setup_inputs()
    print(jax.jit(kernel)(*tuple(_d.values())))

</pallas_src>

<mosaic_0001>
#map = affine_map<(d0, d1) -> (0, 0)>
#map1 = affine_map<(d0, d1) -> (0)>
module attributes {stable_mosaic.version = 14 : i64} {
  func.func @k(%arg0: i32, %arg1: i32, %arg2: memref<5888x1024xf32, #tpu.memory_space<hbm>>, %arg3: memref<2048xi32, #tpu.memory_space<hbm>>, %arg4: memref<2048xi32, #tpu.memory_space<hbm>>, %arg5: memref<2048x1024xf32, #tpu.memory_space<hbm>>, %arg6: memref<2048x1024xf32, #tpu.memory_space<hbm>>, %arg7: memref<64xi32, #tpu.memory_space<vmem>>, %arg8: memref<64x1024xf32, #tpu.memory_space<vmem>>, %arg9: memref<!tpu.dma_semaphore, #tpu.memory_space<semaphore_mem>>) attributes {dimension_semantics = [#tpu.dimension_semantics<core_parallel>, #tpu.dimension_semantics<subcore_parallel>], iteration_bounds = array<i64: 2, 16>, scalar_prefetch = 0 : i64, scratch_operands = 3 : i64, tpu.core_type = #tpu.core_type<sc_vector_subcore>, window_params = [{transform_indices = #map}, {transform_indices = #map1}, {transform_indices = #map1}, {transform_indices = #map}, {transform_indices = #map}]} {
    %mul3A = arith.constant 2 : i32
    %mul3A_0 = arith.muli %arg1, %mul3A : i32
    %add3A = arith.addi %mul3A_0, %arg0 : i32
    %mul3A_1 = arith.constant 64 : i32
    %mul3A_2 = arith.muli %add3A, %mul3A_1 : i32
    "tpu.region"() ({
      %run_scoped3A = tpu.sem_alloc : memref<!tpu.dma_semaphore, #tpu.memory_space<semaphore_mem>>
      %dma_start3A_13 = tpu.memref_slice %arg3[%mul3A_2] : memref<2048xi32, #tpu.memory_space<hbm>> -> memref<64xi32, #tpu.memory_space<hbm>>
      %dma_start3A_14 = tpu.memref_slice %arg3[%mul3A_2] : memref<2048xi32, #tpu.memory_space<hbm>> -> memref<64xi32, #tpu.memory_space<hbm>>
      tpu.enqueue_dma source(%dma_start3A_14 : memref<64xi32, #tpu.memory_space<hbm>>) target(%arg7 : memref<64xi32, #tpu.memory_space<vmem>>) target_semaphore(%run_scoped3A : memref<!tpu.dma_semaphore, #tpu.memory_space<semaphore_mem>>)
      %dma_wait3A_15 = tpu.memref_slice %arg3[%mul3A_2] : memref<2048xi32, #tpu.memory_space<hbm>> -> memref<64xi32, #tpu.memory_space<hbm>>
      %dma_wait3A_16 = tpu.memref_slice %arg3[%mul3A_2] : memref<2048xi32, #tpu.memory_space<hbm>> -> memref<64xi32, #tpu.memory_space<hbm>>
      tpu.wait_dma2 semaphore(%run_scoped3A : memref<!tpu.dma_semaphore, #tpu.memory_space<semaphore_mem>>) src(%dma_wait3A_16 : memref<64xi32, #tpu.memory_space<hbm>>) dst(%arg7 : memref<64xi32, #tpu.memory_space<vmem>>)
      tpu.yield
    }) : () -> ()
    %dma_start3A = arith.constant 0 : i32
    %dma_start3A_3 = arith.constant 0 : i32
    %dma_start3A_4 = tpu.memref_slice %arg2[%dma_start3A, %dma_start3A_3] : memref<5888x1024xf32, #tpu.memory_space<hbm>> -> memref<5888x1024xf32, #tpu.memory_space<hbm>>
    tpu.enqueue_indirect_dma source(%dma_start3A_4 : memref<5888x1024xf32, #tpu.memory_space<hbm>>) target(%arg8 : memref<64x1024xf32, #tpu.memory_space<vmem>>) offsets(%arg7 : memref<64xi32, #tpu.memory_space<vmem>>) semaphore(%arg9 : memref<!tpu.dma_semaphore, #tpu.memory_space<semaphore_mem>>)
    %dma_wait3A = arith.constant 0 : i32
    %dma_wait3A_5 = arith.constant 0 : i32
    %dma_wait3A_6 = tpu.memref_slice %arg2[%dma_wait3A, %dma_wait3A_5] : memref<5888x1024xf32, #tpu.memory_space<hbm>> -> memref<5888x1024xf32, #tpu.memory_space<hbm>>
    tpu.wait_indirect_dma semaphore(%arg9 : memref<!tpu.dma_semaphore, #tpu.memory_space<semaphore_mem>>) src(%dma_wait3A_6 : memref<5888x1024xf32, #tpu.memory_space<hbm>>) dst(%arg8 : memref<64x1024xf32, #tpu.memory_space<vmem>>)
    "tpu.region"() ({
      %run_scoped3A = tpu.sem_alloc : memref<!tpu.dma_semaphore, #tpu.memory_space<semaphore_mem>>
      %dma_start3A_13 = arith.constant 0 : i32
      %dma_start3A_14 = tpu.memref_slice %arg5[%mul3A_2, %dma_start3A_13] : memref<2048x1024xf32, #tpu.memory_space<hbm>> -> memref<64x1024xf32, #tpu.memory_space<hbm>>
      %dma_start3A_15 = arith.constant 0 : i32
      %dma_start3A_16 = tpu.memref_slice %arg5[%mul3A_2, %dma_start3A_15] : memref<2048x1024xf32, #tpu.memory_space<hbm>> -> memref<64x1024xf32, #tpu.memory_space<hbm>>
      tpu.enqueue_dma source(%arg8 : memref<64x1024xf32, #tpu.memory_space<vmem>>) target(%dma_start3A_16 : memref<64x1024xf32, #tpu.memory_space<hbm>>) target_semaphore(%run_scoped3A : memref<!tpu.dma_semaphore, #tpu.memory_space<semaphore_mem>>)
      %dma_wait3A_17 = arith.constant 0 : i32
      %dma_wait3A_18 = tpu.memref_slice %arg5[%mul3A_2, %dma_wait3A_17] : memref<2048x1024xf32, #tpu.memory_space<hbm>> -> memref<64x1024xf32, #tpu.memory_space<hbm>>
      %dma_wait3A_19 = arith.constant 0 : i32
      %dma_wait3A_20 = tpu.memref_slice %arg5[%mul3A_2, %dma_wait3A_19] : memref<2048x1024xf32, #tpu.memory_space<hbm>> -> memref<64x1024xf32, #tpu.memory_space<hbm>>
      tpu.wait_dma2 semaphore(%run_scoped3A : memref<!tpu.dma_semaphore, #tpu.memory_space<semaphore_mem>>) src(%arg8 : memref<64x1024xf32, #tpu.memory_space<vmem>>) dst(%dma_wait3A_20 : memref<64x1024xf32, #tpu.memory_space<hbm>>)
      tpu.yield
    }) : () -> ()
    "tpu.region"() ({
      %run_scoped3A = tpu.sem_alloc : memref<!tpu.dma_semaphore, #tpu.memory_space<semaphore_mem>>
      %dma_start3A_13 = tpu.memref_slice %arg4[%mul3A_2] : memref<2048xi32, #tpu.memory_space<hbm>> -> memref<64xi32, #tpu.memory_space<hbm>>
      %dma_start3A_14 = tpu.memref_slice %arg4[%mul3A_2] : memref<2048xi32, #tpu.memory_space<hbm>> -> memref<64xi32, #tpu.memory_space<hbm>>
      tpu.enqueue_dma source(%dma_start3A_14 : memref<64xi32, #tpu.memory_space<hbm>>) target(%arg7 : memref<64xi32, #tpu.memory_space<vmem>>) target_semaphore(%run_scoped3A : memref<!tpu.dma_semaphore, #tpu.memory_space<semaphore_mem>>)
      %dma_wait3A_15 = tpu.memref_slice %arg4[%mul3A_2] : memref<2048xi32, #tpu.memory_space<hbm>> -> memref<64xi32, #tpu.memory_space<hbm>>
      %dma_wait3A_16 = tpu.memref_slice %arg4[%mul3A_2] : memref<2048xi32, #tpu.memory_space<hbm>> -> memref<64xi32, #tpu.memory_space<hbm>>
      tpu.wait_dma2 semaphore(%run_scoped3A : memref<!tpu.dma_semaphore, #tpu.memory_space<semaphore_mem>>) src(%dma_wait3A_16 : memref<64xi32, #tpu.memory_space<hbm>>) dst(%arg7 : memref<64xi32, #tpu.memory_space<vmem>>)
      tpu.yield
    }) : () -> ()
    %dma_start3A_7 = arith.constant 0 : i32
    %dma_start3A_8 = arith.constant 0 : i32
    %dma_start3A_9 = tpu.memref_slice %arg2[%dma_start3A_7, %dma_start3A_8] : memref<5888x1024xf32, #tpu.memory_space<hbm>> -> memref<5888x1024xf32, #tpu.memory_space<hbm>>
    tpu.enqueue_indirect_dma source(%dma_start3A_9 : memref<5888x1024xf32, #tpu.memory_space<hbm>>) target(%arg8 : memref<64x1024xf32, #tpu.memory_space<vmem>>) offsets(%arg7 : memref<64xi32, #tpu.memory_space<vmem>>) semaphore(%arg9 : memref<!tpu.dma_semaphore, #tpu.memory_space<semaphore_mem>>)
    %dma_wait3A_10 = arith.constant 0 : i32
    %dma_wait3A_11 = arith.constant 0 : i32
    %dma_wait3A_12 = tpu.memref_slice %arg2[%dma_wait3A_10, %dma_wait3A_11] : memref<5888x1024xf32, #tpu.memory_space<hbm>> -> memref<5888x1024xf32, #tpu.memory_space<hbm>>
    tpu.wait_indirect_dma semaphore(%arg9 : memref<!tpu.dma_semaphore, #tpu.memory_space<semaphore_mem>>) src(%dma_wait3A_12 : memref<5888x1024xf32, #tpu.memory_space<hbm>>) dst(%arg8 : memref<64x1024xf32, #tpu.memory_space<vmem>>)
    "tpu.region"() ({
      %run_scoped3A = tpu.sem_alloc : memref<!tpu.dma_semaphore, #tpu.memory_space<semaphore_mem>>
      %dma_start3A_13 = arith.constant 0 : i32
      %dma_start3A_14 = tpu.memref_slice %arg6[%mul3A_2, %dma_start3A_13] : memref<2048x1024xf32, #tpu.memory_space<hbm>> -> memref<64x1024xf32, #tpu.memory_space<hbm>>
      %dma_start3A_15 = arith.constant 0 : i32
      %dma_start3A_16 = tpu.memref_slice %arg6[%mul3A_2, %dma_start3A_15] : memref<2048x1024xf32, #tpu.memory_space<hbm>> -> memref<64x1024xf32, #tpu.memory_space<hbm>>
      tpu.enqueue_dma source(%arg8 : memref<64x1024xf32, #tpu.memory_space<vmem>>) target(%dma_start3A_16 : memref<64x1024xf32, #tpu.memory_space<hbm>>) target_semaphore(%run_scoped3A : memref<!tpu.dma_semaphore, #tpu.memory_space<semaphore_mem>>)
      %dma_wait3A_17 = arith.constant 0 : i32
      %dma_wait3A_18 = tpu.memref_slice %arg6[%mul3A_2, %dma_wait3A_17] : memref<2048x1024xf32, #tpu.memory_space<hbm>> -> memref<64x1024xf32, #tpu.memory_space<hbm>>
      %dma_wait3A_19 = arith.constant 0 : i32
      %dma_wait3A_20 = tpu.memref_slice %arg6[%mul3A_2, %dma_wait3A_19] : memref<2048x1024xf32, #tpu.memory_space<hbm>> -> memref<64x1024xf32, #tpu.memory_space<hbm>>
      tpu.wait_dma2 semaphore(%run_scoped3A : memref<!tpu.dma_semaphore, #tpu.memory_space<semaphore_mem>>) src(%arg8 : memref<64x1024xf32, #tpu.memory_space<vmem>>) dst(%dma_wait3A_20 : memref<64x1024xf32, #tpu.memory_space<hbm>>)
      tpu.yield
    }) : () -> ()
    return
  }
}

#map = affine_map<(d0, d1) -> (0, 0)>
#map1 = affine_map<(d0, d1) -> (0, 0, 0)>
module attributes {stable_mosaic.version = 14 : i64} {
  func.func @k(%arg0: i32, %arg1: i32, %arg2: memref<2048x1024xf32, #tpu.memory_space<hbm>>, %arg3: memref<32x2x64xi32, #tpu.memory_space<hbm>>, %arg4: memref<5888x1024xf32, #tpu.memory_space<hbm>>, %arg5: memref<64xi32, #tpu.memory_space<vmem>>, %arg6: memref<64xi32, #tpu.memory_space<vmem>>, %arg7: memref<64x1024xf32, #tpu.memory_space<vmem>>, %arg8: memref<!tpu.dma_semaphore, #tpu.memory_space<semaphore_mem>>) attributes {dimension_semantics = [#tpu.dimension_semantics<core_parallel>, #tpu.dimension_semantics<subcore_parallel>], iteration_bounds = array<i64: 2, 16>, scalar_prefetch = 0 : i64, scratch_operands = 4 : i64, tpu.core_type = #tpu.core_type<sc_vector_subcore>, window_params = [{transform_indices = #map}, {transform_indices = #map1}, {transform_indices = #map}]} {
    %mul3A = arith.constant 2 : i32
    %mul3A_0 = arith.muli %arg1, %mul3A : i32
    %add3A = arith.addi %mul3A_0, %arg0 : i32
    %mul3A_1 = arith.constant 64 : i32
    %mul3A_2 = arith.muli %add3A, %mul3A_1 : i32
    %run_scoped3A = arith.constant 0 : i32
    "tpu.region"() ({
      %run_scoped3A_14 = tpu.sem_alloc : memref<!tpu.dma_semaphore, #tpu.memory_space<semaphore_mem>>
      %dma_start3A_15 = arith.constant 0 : i32
      %dma_start3A_16 = tpu.memref_slice %arg3[%add3A, %run_scoped3A, %dma_start3A_15] : memref<32x2x64xi32, #tpu.memory_space<hbm>> -> memref<1x1x64xi32, #tpu.memory_space<hbm>>
      %dma_start3A_17 = tpu.memref_squeeze %dma_start3A_16 : memref<1x1x64xi32, #tpu.memory_space<hbm>> -> memref<64xi32, #tpu.memory_space<hbm>>
      %dma_start3A_18 = arith.constant 0 : i32
      %dma_start3A_19 = tpu.memref_slice %arg3[%add3A, %run_scoped3A, %dma_start3A_18] : memref<32x2x64xi32, #tpu.memory_space<hbm>> -> memref<1x1x64xi32, #tpu.memory_space<hbm>>
      %dma_start3A_20 = tpu.memref_squeeze %dma_start3A_19 : memref<1x1x64xi32, #tpu.memory_space<hbm>> -> memref<64xi32, #tpu.memory_space<hbm>>
      tpu.enqueue_dma source(%dma_start3A_20 : memref<64xi32, #tpu.memory_space<hbm>>) target(%arg5 : memref<64xi32, #tpu.memory_space<vmem>>) target_semaphore(%run_scoped3A_14 : memref<!tpu.dma_semaphore, #tpu.memory_space<semaphore_mem>>)
      %dma_wait3A_21 = arith.constant 0 : i32
      %dma_wait3A_22 = tpu.memref_slice %arg3[%add3A, %run_scoped3A, %dma_wait3A_21] : memref<32x2x64xi32, #tpu.memory_space<hbm>> -> memref<1x1x64xi32, #tpu.memory_space<hbm>>
      %dma_wait3A_23 = tpu.memref_squeeze %dma_wait3A_22 : memref<1x1x64xi32, #tpu.memory_space<hbm>> -> memref<64xi32, #tpu.memory_space<hbm>>
      %dma_wait3A_24 = arith.constant 0 : i32
      %dma_wait3A_25 = tpu.memref_slice %arg3[%add3A, %run_scoped3A, %dma_wait3A_24] : memref<32x2x64xi32, #tpu.memory_space<hbm>> -> memref<1x1x64xi32, #tpu.memory_space<hbm>>
      %dma_wait3A_26 = tpu.memref_squeeze %dma_wait3A_25 : memref<1x1x64xi32, #tpu.memory_space<hbm>> -> memref<64xi32, #tpu.memory_space<hbm>>
      tpu.wait_dma2 semaphore(%run_scoped3A_14 : memref<!tpu.dma_semaphore, #tpu.memory_space<semaphore_mem>>) src(%dma_wait3A_26 : memref<64xi32, #tpu.memory_space<hbm>>) dst(%arg5 : memref<64xi32, #tpu.memory_space<vmem>>)
      tpu.yield
    }) : () -> ()
    %run_scoped3A_3 = arith.constant 1 : i32
    "tpu.region"() ({
      %run_scoped3A_14 = tpu.sem_alloc : memref<!tpu.dma_semaphore, #tpu.memory_space<semaphore_mem>>
      %dma_start3A_15 = arith.constant 0 : i32
      %dma_start3A_16 = tpu.memref_slice %arg3[%add3A, %run_scoped3A_3, %dma_start3A_15] : memref<32x2x64xi32, #tpu.memory_space<hbm>> -> memref<1x1x64xi32, #tpu.memory_space<hbm>>
      %dma_start3A_17 = tpu.memref_squeeze %dma_start3A_16 : memref<1x1x64xi32, #tpu.memory_space<hbm>> -> memref<64xi32, #tpu.memory_space<hbm>>
      %dma_start3A_18 = arith.constant 0 : i32
      %dma_start3A_19 = tpu.memref_slice %arg3[%add3A, %run_scoped3A_3, %dma_start3A_18] : memref<32x2x64xi32, #tpu.memory_space<hbm>> -> memref<1x1x64xi32, #tpu.memory_space<hbm>>
      %dma_start3A_20 = tpu.memref_squeeze %dma_start3A_19 : memref<1x1x64xi32, #tpu.memory_space<hbm>> -> memref<64xi32, #tpu.memory_space<hbm>>
      tpu.enqueue_dma source(%dma_start3A_20 : memref<64xi32, #tpu.memory_space<hbm>>) target(%arg6 : memref<64xi32, #tpu.memory_space<vmem>>) target_semaphore(%run_scoped3A_14 : memref<!tpu.dma_semaphore, #tpu.memory_space<semaphore_mem>>)
      %dma_wait3A_21 = arith.constant 0 : i32
      %dma_wait3A_22 = tpu.memref_slice %arg3[%add3A, %run_scoped3A_3, %dma_wait3A_21] : memref<32x2x64xi32, #tpu.memory_space<hbm>> -> memref<1x1x64xi32, #tpu.memory_space<hbm>>
      %dma_wait3A_23 = tpu.memref_squeeze %dma_wait3A_22 : memref<1x1x64xi32, #tpu.memory_space<hbm>> -> memref<64xi32, #tpu.memory_space<hbm>>
      %dma_wait3A_24 = arith.constant 0 : i32
      %dma_wait3A_25 = tpu.memref_slice %arg3[%add3A, %run_scoped3A_3, %dma_wait3A_24] : memref<32x2x64xi32, #tpu.memory_space<hbm>> -> memref<1x1x64xi32, #tpu.memory_space<hbm>>
      %dma_wait3A_26 = tpu.memref_squeeze %dma_wait3A_25 : memref<1x1x64xi32, #tpu.memory_space<hbm>> -> memref<64xi32, #tpu.memory_space<hbm>>
      tpu.wait_dma2 semaphore(%run_scoped3A_14 : memref<!tpu.dma_semaphore, #tpu.memory_space<semaphore_mem>>) src(%dma_wait3A_26 : memref<64xi32, #tpu.memory_space<hbm>>) dst(%arg6 : memref<64xi32, #tpu.memory_space<vmem>>)
      tpu.yield
    }) : () -> ()
    "tpu.region"() ({
      %run_scoped3A_14 = tpu.sem_alloc : memref<!tpu.dma_semaphore, #tpu.memory_space<semaphore_mem>>
      %dma_start3A_15 = arith.constant 0 : i32
      %dma_start3A_16 = tpu.memref_slice %arg2[%mul3A_2, %dma_start3A_15] : memref<2048x1024xf32, #tpu.memory_space<hbm>> -> memref<64x1024xf32, #tpu.memory_space<hbm>>
      %dma_start3A_17 = arith.constant 0 : i32
      %dma_start3A_18 = tpu.memref_slice %arg2[%mul3A_2, %dma_start3A_17] : memref<2048x1024xf32, #tpu.memory_space<hbm>> -> memref<64x1024xf32, #tpu.memory_space<hbm>>
      tpu.enqueue_dma source(%dma_start3A_18 : memref<64x1024xf32, #tpu.memory_space<hbm>>) target(%arg7 : memref<64x1024xf32, #tpu.memory_space<vmem>>) target_semaphore(%run_scoped3A_14 : memref<!tpu.dma_semaphore, #tpu.memory_space<semaphore_mem>>)
      %dma_wait3A_19 = arith.constant 0 : i32
      %dma_wait3A_20 = tpu.memref_slice %arg2[%mul3A_2, %dma_wait3A_19] : memref<2048x1024xf32, #tpu.memory_space<hbm>> -> memref<64x1024xf32, #tpu.memory_space<hbm>>
      %dma_wait3A_21 = arith.constant 0 : i32
      %dma_wait3A_22 = tpu.memref_slice %arg2[%mul3A_2, %dma_wait3A_21] : memref<2048x1024xf32, #tpu.memory_space<hbm>> -> memref<64x1024xf32, #tpu.memory_space<hbm>>
      tpu.wait_dma2 semaphore(%run_scoped3A_14 : memref<!tpu.dma_semaphore, #tpu.memory_space<semaphore_mem>>) src(%dma_wait3A_22 : memref<64x1024xf32, #tpu.memory_space<hbm>>) dst(%arg7 : memref<64x1024xf32, #tpu.memory_space<vmem>>)
      tpu.yield
    }) : () -> ()
    %dma_start3A = arith.constant 0 : i32
    %dma_start3A_4 = arith.constant 0 : i32
    %dma_start3A_5 = tpu.memref_slice %arg4[%dma_start3A, %dma_start3A_4] : memref<5888x1024xf32, #tpu.memory_space<hbm>> -> memref<5888x1024xf32, #tpu.memory_space<hbm>>
    tpu.enqueue_indirect_dma source(%arg7 : memref<64x1024xf32, #tpu.memory_space<vmem>>) target(%dma_start3A_5 : memref<5888x1024xf32, #tpu.memory_space<hbm>>) offsets(%arg5 : memref<64xi32, #tpu.memory_space<vmem>>) semaphore(%arg8 : memref<!tpu.dma_semaphore, #tpu.memory_space<semaphore_mem>>)
    %dma_wait3A = arith.constant 0 : i32
    %dma_wait3A_6 = arith.constant 0 : i32
    %dma_wait3A_7 = tpu.memref_slice %arg4[%dma_wait3A, %dma_wait3A_6] : memref<5888x1024xf32, #tpu.memory_space<hbm>> -> memref<5888x1024xf32, #tpu.memory_space<hbm>>
    tpu.wait_indirect_dma semaphore(%arg8 : memref<!tpu.dma_semaphore, #tpu.memory_space<semaphore_mem>>) src(%arg7 : memref<64x1024xf32, #tpu.memory_space<vmem>>) dst(%dma_wait3A_7 : memref<5888x1024xf32, #tpu.memory_space<hbm>>)
    %dma_start3A_8 = arith.constant 0 : i32
    %dma_start3A_9 = arith.constant 0 : i32
    %dma_start3A_10 = tpu.memref_slice %arg4[%dma_start3A_8, %dma_start3A_9] : memref<5888x1024xf32, #tpu.memory_space<hbm>> -> memref<5888x1024xf32, #tpu.memory_space<hbm>>
    tpu.enqueue_indirect_dma source(%arg7 : memref<64x1024xf32, #tpu.memory_space<vmem>>) target(%dma_start3A_10 : memref<5888x1024xf32, #tpu.memory_space<hbm>>) offsets(%arg6 : memref<64xi32, #tpu.memory_space<vmem>>) semaphore(%arg8 : memref<!tpu.dma_semaphore, #tpu.memory_space<semaphore_mem>>)
    %dma_wait3A_11 = arith.constant 0 : i32
    %dma_wait3A_12 = arith.constant 0 : i32
    %dma_wait3A_13 = tpu.memref_slice %arg4[%dma_wait3A_11, %dma_wait3A_12] : memref<5888x1024xf32, #tpu.memory_space<hbm>> -> memref<5888x1024xf32, #tpu.memory_space<hbm>>
    tpu.wait_indirect_dma semaphore(%arg8 : memref<!tpu.dma_semaphore, #tpu.memory_space<semaphore_mem>>) src(%arg7 : memref<64x1024xf32, #tpu.memory_space<vmem>>) dst(%dma_wait3A_13 : memref<5888x1024xf32, #tpu.memory_space<hbm>>)
    return
  }
}

module attributes {stable_mosaic.version = 14 : i64} {
  func.func @_router_kernel(%arg0: memref<2048x1024xf32, #tpu.memory_space<vmem>>, %arg1: memref<1024x8xf32, #tpu.memory_space<vmem>>, %arg2: memref<1x8xf32, #tpu.memory_space<vmem>>, %arg3: memref<2048x1024xbf16, #tpu.memory_space<vmem>>, %arg4: memref<2048x2xi32, #tpu.memory_space<vmem>>, %arg5: memref<2048x2xf32, #tpu.memory_space<vmem>>, %arg6: memref<1x32xi32, #tpu.memory_space<vmem>>) attributes {dimension_semantics = [], scalar_prefetch = 0 : i64, scratch_operands = 0 : i64, tpu.core_type = #tpu.core_type<tc>} {
    %get3A = arith.constant 0 : index
    %get3A_0 = arith.constant 0 : index
    %get3A_1 = vector.load %arg0[%get3A, %get3A_0] : memref<2048x1024xf32, #tpu.memory_space<vmem>>, vector<2048x1024xf32>
    %convert_element_type3A = arith.truncf %get3A_1 : vector<2048x1024xf32> to vector<2048x1024xbf16>
    %swap3A = arith.constant 0 : index
    %swap3A_2 = arith.constant 0 : index
    %swap3A_3 = vector.load %arg3[%swap3A, %swap3A_2] : memref<2048x1024xbf16, #tpu.memory_space<vmem>>, vector<2048x1024xbf16>
    tpu.vector_store %arg3[%swap3A, %swap3A_2], %convert_element_type3A {strides = array<i32>} : memref<2048x1024xbf16, #tpu.memory_space<vmem>>, vector<2048x1024xbf16>,
    %get3A_4 = arith.constant 0 : index
    %get3A_5 = arith.constant 0 : index
    %get3A_6 = vector.load %arg1[%get3A_4, %get3A_5] : memref<1024x8xf32, #tpu.memory_space<vmem>>, vector<1024x8xf32>
    %convert_element_type3A_7 = arith.truncf %get3A_6 : vector<1024x8xf32> to vector<1024x8xbf16>
    %dot_general3A = arith.constant dense<0.000000e+00> : vector<2048x8xf32>
    %dot_general3A_8 = tpu.matmul %convert_element_type3A, %convert_element_type3A_7, %dot_general3A {dimension_numbers = #tpu.dot_dimension_numbers<[1], [0], [0], [1], [0, 0, 1, 1], [], []>, transpose_lhs_hint = false} : vector<2048x1024xbf16>, vector<1024x8xbf16>, vector<2048x8xf32> -> vector<2048x8xf32>
    %reduce_max3A = arith.constant dense<0xFF800000> : vector<2048xf32>
    %reduce_max3A_9 = vector.multi_reduction <maximumf>, %dot_general3A_8, %reduce_max3A [1] : vector<2048x8xf32> to vector<2048xf32>
    %max3A = arith.constant 0xFF800000 : f32
    %max3A_10 = vector.broadcast %max3A : f32 to vector<2048xf32>
    %max3A_11 = arith.maximumf %max3A_10, %reduce_max3A_9 : vector<2048xf32>
    %broadcast_in_dim3A = vector.shape_cast %max3A_11 : vector<2048xf32> to vector<2048x1xf32>
    %sub3A = vector.broadcast %broadcast_in_dim3A : vector<2048x1xf32> to vector<2048x8xf32>
    %sub3A_12 = arith.subf %dot_general3A_8, %sub3A : vector<2048x8xf32>
    %exp3A = math.exp %sub3A_12 : vector<2048x8xf32>
    %reduce_sum3A = arith.constant dense<0.000000e+00> : vector<2048xf32>
    %reduce_sum3A_13 = vector.multi_reduction <add>, %exp3A, %reduce_sum3A [1] : vector<2048x8xf32> to vector<2048xf32>
    %broadcast_in_dim3A_14 = vector.shape_cast %reduce_sum3A_13 : vector<2048xf32> to vector<2048x1xf32>
    %div3A = vector.broadcast %broadcast_in_dim3A_14 : vector<2048x1xf32> to vector<2048x8xf32>
    %div3A_15 = arith.divf %exp3A, %div3A : vector<2048x8xf32>
    %get3A_16 = arith.constant 0 : index
    %get3A_17 = arith.constant 0 : index
    %get3A_18 = vector.load %arg2[%get3A_16, %get3A_17] : memref<1x8xf32, #tpu.memory_space<vmem>>, vector<1x8xf32>
    %add3A = vector.broadcast %get3A_18 : vector<1x8xf32> to vector<2048x8xf32>
    %add3A_19 = arith.addf %div3A_15, %add3A : vector<2048x8xf32>
    %iota3A = tpu.iota {dimensions = array<i32: 1>} : vector<2048x8xi32>
    %reduce_max3A_20 = arith.constant dense<0xFF800000> : vector<2048xf32>
    %reduce_max3A_21 = vector.multi_reduction <maximumf>, %add3A_19, %reduce_max3A_20 [1] : vector<2048x8xf32> to vector<2048xf32>
    %broadcast_in_dim3A_22 = vector.shape_cast %reduce_max3A_21 : vector<2048xf32> to vector<2048x1xf32>
    %eq3A = vector.broadcast %broadcast_in_dim3A_22 : vector<2048x1xf32> to vector<2048x8xf32>
    %eq3A_23 = arith.cmpf oeq, %add3A_19, %eq3A : vector<2048x8xf32>
    %jit3A = arith.constant 8 : i32
    %broadcast_in_dim3A_24 = vector.broadcast %jit3A : i32 to vector<2048x8xi32>
    %select_n3A = arith.select %eq3A_23, %iota3A, %broadcast_in_dim3A_24 : vector<2048x8xi1>, vector<2048x8xi32>
    %reduce_min3A = arith.constant dense<2147483647> : vector<2048xi32>
    %reduce_min3A_25 = vector.multi_reduction <minsi>, %select_n3A, %reduce_min3A [1] : vector<2048x8xi32> to vector<2048xi32>
    %broadcast_in_dim3A_26 = vector.shape_cast %reduce_min3A_25 : vector<2048xi32> to vector<2048x1xi32>
    %eq3A_27 = vector.broadcast %broadcast_in_dim3A_26 : vector<2048x1xi32> to vector<2048x8xi32>
    %eq3A_28 = arith.cmpi eq, %iota3A, %eq3A_27 : vector<2048x8xi32>
    %jit3A_29 = arith.constant 0xFF800000 : f32
    %broadcast_in_dim3A_30 = vector.broadcast %jit3A_29 : f32 to vector<2048x8xf32>
    %select_n3A_31 = arith.select %eq3A_28, %broadcast_in_dim3A_30, %add3A_19 : vector<2048x8xi1>, vector<2048x8xf32>
    %reduce_max3A_32 = arith.constant dense<0xFF800000> : vector<2048xf32>
    %reduce_max3A_33 = vector.multi_reduction <maximumf>, %select_n3A_31, %reduce_max3A_32 [1] : vector<2048x8xf32> to vector<2048xf32>
    %broadcast_in_dim3A_34 = vector.shape_cast %reduce_max3A_33 : vector<2048xf32> to vector<2048x1xf32>
    %eq3A_35 = vector.broadcast %broadcast_in_dim3A_34 : vector<2048x1xf32> to vector<2048x8xf32>
    %eq3A_36 = arith.cmpf oeq, %select_n3A_31, %eq3A_35 : vector<2048x8xf32>
    %jit3A_37 = arith.constant 8 : i32
    %broadcast_in_dim3A_38 = vector.broadcast %jit3A_37 : i32 to vector<2048x8xi32>
    %select_n3A_39 = arith.select %eq3A_36, %iota3A, %broadcast_in_dim3A_38 : vector<2048x8xi1>, vector<2048x8xi32>
    %reduce_min3A_40 = arith.constant dense<2147483647> : vector<2048xi32>
    %reduce_min3A_41 = vector.multi_reduction <minsi>, %select_n3A_39, %reduce_min3A_40 [1] : vector<2048x8xi32> to vector<2048xi32>
    %broadcast_in_dim3A_42 = vector.shape_cast %reduce_min3A_41 : vector<2048xi32> to vector<2048x1xi32>
    %eq3A_43 = vector.broadcast %broadcast_in_dim3A_26 : vector<2048x1xi32> to vector<2048x8xi32>
    %eq3A_44 = arith.cmpi eq, %iota3A, %eq3A_43 : vector<2048x8xi32>
    %jit3A_45 = arith.constant 0.000000e+00 : f32
    %broadcast_in_dim3A_46 = vector.broadcast %jit3A_45 : f32 to vector<2048x8xf32>
    %select_n3A_47 = arith.select %eq3A_44, %div3A_15, %broadcast_in_dim3A_46 : vector<2048x8xi1>, vector<2048x8xf32>
    %reduce_sum3A_48 = arith.constant dense<0.000000e+00> : vector<2048xf32>
    %reduce_sum3A_49 = vector.multi_reduction <add>, %select_n3A_47, %reduce_sum3A_48 [1] : vector<2048x8xf32> to vector<2048xf32>
    %broadcast_in_dim3A_50 = vector.shape_cast %reduce_sum3A_49 : vector<2048xf32> to vector<2048x1xf32>
    %eq3A_51 = vector.broadcast %broadcast_in_dim3A_42 : vector<2048x1xi32> to vector<2048x8xi32>
    %eq3A_52 = arith.cmpi eq, %iota3A, %eq3A_51 : vector<2048x8xi32>
    %jit3A_53 = arith.constant 0.000000e+00 : f32
    %broadcast_in_dim3A_54 = vector.broadcast %jit3A_53 : f32 to vector<2048x8xf32>
    %select_n3A_55 = arith.select %eq3A_52, %div3A_15, %broadcast_in_dim3A_54 : vector<2048x8xi1>, vector<2048x8xf32>
    %reduce_sum3A_56 = arith.constant dense<0.000000e+00> : vector<2048xf32>
    %reduce_sum3A_57 = vector.multi_reduction <add>, %select_n3A_55, %reduce_sum3A_56 [1] : vector<2048x8xf32> to vector<2048xf32>
    %broadcast_in_dim3A_58 = vector.shape_cast %reduce_sum3A_57 : vector<2048xf32> to vector<2048x1xf32>
    %add3A_59 = arith.addf %broadcast_in_dim3A_50, %broadcast_in_dim3A_58 : vector<2048x1xf32>
    %div3A_60 = arith.divf %broadcast_in_dim3A_50, %add3A_59 : vector<2048x1xf32>
    %div3A_61 = arith.divf %broadcast_in_dim3A_58, %add3A_59 : vector<2048x1xf32>
    %concatenate3A = tpu.concatenate %div3A_60, %div3A_61 in 1 : vector<2048x1xf32>, vector<2048x1xf32> -> vector<2048x2xf32>
    %swap3A_62 = arith.constant 0 : index
    %swap3A_63 = arith.constant 0 : index
    %swap3A_64 = vector.load %arg5[%swap3A_62, %swap3A_63] : memref<2048x2xf32, #tpu.memory_space<vmem>>, vector<2048x2xf32>
    tpu.vector_store %arg5[%swap3A_62, %swap3A_63], %concatenate3A {strides = array<i32>} : memref<2048x2xf32, #tpu.memory_space<vmem>>, vector<2048x2xf32>,
    %eq3A_65 = vector.broadcast %broadcast_in_dim3A_26 : vector<2048x1xi32> to vector<2048x8xi32>
    %eq3A_66 = arith.cmpi eq, %iota3A, %eq3A_65 : vector<2048x8xi32>
    %eq3A_67 = vector.broadcast %broadcast_in_dim3A_42 : vector<2048x1xi32> to vector<2048x8xi32>
    %eq3A_68 = arith.cmpi eq, %iota3A, %eq3A_67 : vector<2048x8xi32>
    %or3A = arith.ori %eq3A_66, %eq3A_68 : vector<2048x8xi1>
    %convert_element_type3A_69 = arith.extui %or3A : vector<2048x8xi1> to vector<2048x8xi32>
    %convert_element_type3A_70 = arith.sitofp %convert_element_type3A_69 : vector<2048x8xi32> to vector<2048x8xf32>
    %broadcast_in_dim3A_71 = arith.constant 0.000000e+00 : f32
    %broadcast_in_dim3A_72 = vector.broadcast %broadcast_in_dim3A_71 : f32 to vector<1x8xf32>
    %slice3A = vector.extract_strided_slice %convert_element_type3A_70 {offsets = [0, 0], sizes = [2047, 8], strides = [1, 1]} : vector<2048x8xf32> to vector<2047x8xf32>
    %concatenate3A_73 = tpu.concatenate %broadcast_in_dim3A_72, %slice3A in 0 : vector<1x8xf32>, vector<2047x8xf32> -> vector<2048x8xf32>
    %add3A_74 = arith.addf %convert_element_type3A_70, %concatenate3A_73 : vector<2048x8xf32>
    %broadcast_in_dim3A_75 = arith.constant 0.000000e+00 : f32
    %broadcast_in_dim3A_76 = vector.broadcast %broadcast_in_dim3A_75 : f32 to vector<2x8xf32>
    %slice3A_77 = vector.extract_strided_slice %add3A_74 {offsets = [0, 0], sizes = [2046, 8], strides = [1, 1]} : vector<2048x8xf32> to vector<2046x8xf32>
    %concatenate3A_78 = tpu.concatenate %broadcast_in_dim3A_76, %slice3A_77 in 0 : vector<2x8xf32>, vector<2046x8xf32> -> vector<2048x8xf32>
    %add3A_79 = arith.addf %add3A_74, %concatenate3A_78 : vector<2048x8xf32>
    %broadcast_in_dim3A_80 = arith.constant 0.000000e+00 : f32
    %broadcast_in_dim3A_81 = vector.broadcast %broadcast_in_dim3A_80 : f32 to vector<4x8xf32>
    %slice3A_82 = vector.extract_strided_slice %add3A_79 {offsets = [0, 0], sizes = [2044, 8], strides = [1, 1]} : vector<2048x8xf32> to vector<2044x8xf32>
    %concatenate3A_83 = tpu.concatenate %broadcast_in_dim3A_81, %slice3A_82 in 0 : vector<4x8xf32>, vector<2044x8xf32> -> vector<2048x8xf32>
    %add3A_84 = arith.addf %add3A_79, %concatenate3A_83 : vector<2048x8xf32>
    %broadcast_in_dim3A_85 = arith.constant 0.000000e+00 : f32
    %broadcast_in_dim3A_86 = vector.broadcast %broadcast_in_dim3A_85 : f32 to vector<8x8xf32>
    %slice3A_87 = vector.extract_strided_slice %add3A_84 {offsets = [0, 0], sizes = [2040, 8], strides = [1, 1]} : vector<2048x8xf32> to vector<2040x8xf32>
    %concatenate3A_88 = tpu.concatenate %broadcast_in_dim3A_86, %slice3A_87 in 0 : vector<8x8xf32>, vector<2040x8xf32> -> vector<2048x8xf32>
    %add3A_89 = arith.addf %add3A_84, %concatenate3A_88 : vector<2048x8xf32>
    %broadcast_in_dim3A_90 = arith.constant 0.000000e+00 : f32
    %broadcast_in_dim3A_91 = vector.broadcast %broadcast_in_dim3A_90 : f32 to vector<16x8xf32>
    %slice3A_92 = vector.extract_strided_slice %add3A_89 {offsets = [0, 0], sizes = [2032, 8], strides = [1, 1]} : vector<2048x8xf32> to vector<2032x8xf32>
    %concatenate3A_93 = tpu.concatenate %broadcast_in_dim3A_91, %slice3A_92 in 0 : vector<16x8xf32>, vector<2032x8xf32> -> vector<2048x8xf32>
    %add3A_94 = arith.addf %add3A_89, %concatenate3A_93 : vector<2048x8xf32>
    %broadcast_in_dim3A_95 = arith.constant 0.000000e+00 : f32
    %broadcast_in_dim3A_96 = vector.broadcast %broadcast_in_dim3A_95 : f32 to vector<32x8xf32>
    %slice3A_97 = vector.extract_strided_slice %add3A_94 {offsets = [0, 0], sizes = [2016, 8], strides = [1, 1]} : vector<2048x8xf32> to vector<2016x8xf32>
    %concatenate3A_98 = tpu.concatenate %broadcast_in_dim3A_96, %slice3A_97 in 0 : vector<32x8xf32>, vector<2016x8xf32> -> vector<2048x8xf32>
    %add3A_99 = arith.addf %add3A_94, %concatenate3A_98 : vector<2048x8xf32>
    %broadcast_in_dim3A_100 = arith.constant 0.000000e+00 : f32
    %broadcast_in_dim3A_101 = vector.broadcast %broadcast_in_dim3A_100 : f32 to vector<64x8xf32>
    %slice3A_102 = vector.extract_strided_slice %add3A_99 {offsets = [0, 0], sizes = [1984, 8], strides = [1, 1]} : vector<2048x8xf32> to vector<1984x8xf32>
    %concatenate3A_103 = tpu.concatenate %broadcast_in_dim3A_101, %slice3A_102 in 0 : vector<64x8xf32>, vector<1984x8xf32> -> vector<2048x8xf32>
    %add3A_104 = arith.addf %add3A_99, %concatenate3A_103 : vector<2048x8xf32>
    %broadcast_in_dim3A_105 = arith.constant 0.000000e+00 : f32
    %broadcast_in_dim3A_106 = vector.broadcast %broadcast_in_dim3A_105 : f32 to vector<128x8xf32>
    %slice3A_107 = vector.extract_strided_slice %add3A_104 {offsets = [0, 0], sizes = [1920, 8], strides = [1, 1]} : vector<2048x8xf32> to vector<1920x8xf32>
    %concatenate3A_108 = tpu.concatenate %broadcast_in_dim3A_106, %slice3A_107 in 0 : vector<128x8xf32>, vector<1920x8xf32> -> vector<2048x8xf32>
    %add3A_109 = arith.addf %add3A_104, %concatenate3A_108 : vector<2048x8xf32>
    %broadcast_in_dim3A_110 = arith.constant 0.000000e+00 : f32
    %broadcast_in_dim3A_111 = vector.broadcast %broadcast_in_dim3A_110 : f32 to vector<256x8xf32>
    %slice3A_112 = vector.extract_strided_slice %add3A_109 {offsets = [0, 0], sizes = [1792, 8], strides = [1, 1]} : vector<2048x8xf32> to vector<1792x8xf32>
    %concatenate3A_113 = tpu.concatenate %broadcast_in_dim3A_111, %slice3A_112 in 0 : vector<256x8xf32>, vector<1792x8xf32> -> vector<2048x8xf32>
    %add3A_114 = arith.addf %add3A_109, %concatenate3A_113 : vector<2048x8xf32>
    %broadcast_in_dim3A_115 = arith.constant 0.000000e+00 : f32
    %broadcast_in_dim3A_116 = vector.broadcast %broadcast_in_dim3A_115 : f32 to vector<512x8xf32>
    %slice3A_117 = vector.extract_strided_slice %add3A_114 {offsets = [0, 0], sizes = [1536, 8], strides = [1, 1]} : vector<2048x8xf32> to vector<1536x8xf32>
    %concatenate3A_118 = tpu.concatenate %broadcast_in_dim3A_116, %slice3A_117 in 0 : vector<512x8xf32>, vector<1536x8xf32> -> vector<2048x8xf32>
    %add3A_119 = arith.addf %add3A_114, %concatenate3A_118 : vector<2048x8xf32>
    %broadcast_in_dim3A_120 = arith.constant 0.000000e+00 : f32
    %broadcast_in_dim3A_121 = vector.broadcast %broadcast_in_dim3A_120 : f32 to vector<1024x8xf32>
    %slice3A_122 = vector.extract_strided_slice %add3A_119 {offsets = [0, 0], sizes = [1024, 8], strides = [1, 1]} : vector<2048x8xf32> to vector<1024x8xf32>
    %concatenate3A_123 = tpu.concatenate %broadcast_in_dim3A_121, %slice3A_122 in 0 : vector<1024x8xf32>, vector<1024x8xf32> -> vector<2048x8xf32>
    %add3A_124 = arith.addf %add3A_119, %concatenate3A_123 : vector<2048x8xf32>
    %sub3A_125 = arith.subf %add3A_124, %convert_element_type3A_70 : vector<2048x8xf32>
    %slice3A_126 = vector.extract_strided_slice %add3A_124 {offsets = [2047, 0], sizes = [1, 8], strides = [1, 1]} : vector<2048x8xf32> to vector<1x8xf32>
    %add3A_127 = arith.constant 2.550000e+02 : f32
    %add3A_128 = vector.broadcast %add3A_127 : f32 to vector<1x8xf32>
    %add3A_129 = arith.addf %slice3A_126, %add3A_128 : vector<1x8xf32>
    %div3A_130 = arith.constant 2.560000e+02 : f32
    %div3A_131 = vector.broadcast %div3A_130 : f32 to vector<1x8xf32>
    %div3A_132 = arith.divf %add3A_129, %div3A_131 : vector<1x8xf32>
    %floor3A = math.floor %div3A_132 : vector<1x8xf32>
    %broadcast_in_dim3A_133 = arith.constant 0.000000e+00 : f32
    %broadcast_in_dim3A_134 = vector.broadcast %broadcast_in_dim3A_133 : f32 to vector<1x1xf32>
    %slice3A_135 = vector.extract_strided_slice %floor3A {offsets = [0, 0], sizes = [1, 7], strides = [1, 1]} : vector<1x8xf32> to vector<1x7xf32>
    %concatenate3A_136 = tpu.concatenate %broadcast_in_dim3A_134, %slice3A_135 in 1 : vector<1x1xf32>, vector<1x7xf32> -> vector<1x8xf32>
    %add3A_137 = arith.addf %floor3A, %concatenate3A_136 : vector<1x8xf32>
    %broadcast_in_dim3A_138 = arith.constant 0.000000e+00 : f32
    %broadcast_in_dim3A_139 = vector.broadcast %broadcast_in_dim3A_138 : f32 to vector<1x2xf32>
    %slice3A_140 = vector.extract_strided_slice %add3A_137 {offsets = [0, 0], sizes = [1, 6], strides = [1, 1]} : vector<1x8xf32> to vector<1x6xf32>
    %concatenate3A_141 = tpu.concatenate %broadcast_in_dim3A_139, %slice3A_140 in 1 : vector<1x2xf32>, vector<1x6xf32> -> vector<1x8xf32>
    %add3A_142 = arith.addf %add3A_137, %concatenate3A_141 : vector<1x8xf32>
    %broadcast_in_dim3A_143 = arith.constant 0.000000e+00 : f32
    %broadcast_in_dim3A_144 = vector.broadcast %broadcast_in_dim3A_143 : f32 to vector<1x4xf32>
    %slice3A_145 = vector.extract_strided_slice %add3A_142 {offsets = [0, 0], sizes = [1, 4], strides = [1, 1]} : vector<1x8xf32> to vector<1x4xf32>
    %concatenate3A_146 = tpu.concatenate %broadcast_in_dim3A_144, %slice3A_145 in 1 : vector<1x4xf32>, vector<1x4xf32> -> vector<1x8xf32>
    %add3A_147 = arith.addf %add3A_142, %concatenate3A_146 : vector<1x8xf32>
    %sub3A_148 = arith.subf %add3A_147, %floor3A : vector<1x8xf32>
    %mul3A = arith.constant 2.560000e+02 : f32
    %mul3A_149 = vector.broadcast %mul3A : f32 to vector<1x8xf32>
    %mul3A_150 = arith.mulf %sub3A_148, %mul3A_149 : vector<1x8xf32>
    %add3A_151 = vector.broadcast %mul3A_150 : vector<1x8xf32> to vector<2048x8xf32>
    %add3A_152 = arith.addf %add3A_151, %sub3A_125 : vector<2048x8xf32>
    %eq3A_153 = vector.broadcast %broadcast_in_dim3A_26 : vector<2048x1xi32> to vector<2048x8xi32>
    %eq3A_154 = arith.cmpi eq, %iota3A, %eq3A_153 : vector<2048x8xi32>
    %jit3A_155 = arith.constant 0.000000e+00 : f32
    %broadcast_in_dim3A_156 = vector.broadcast %jit3A_155 : f32 to vector<2048x8xf32>
    %select_n3A_157 = arith.select %eq3A_154, %add3A_152, %broadcast_in_dim3A_156 : vector<2048x8xi1>, vector<2048x8xf32>
    %reduce_sum3A_158 = arith.constant dense<0.000000e+00> : vector<2048xf32>
    %reduce_sum3A_159 = vector.multi_reduction <add>, %select_n3A_157, %reduce_sum3A_158 [1] : vector<2048x8xf32> to vector<2048xf32>
    %broadcast_in_dim3A_160 = vector.shape_cast %reduce_sum3A_159 : vector<2048xf32> to vector<2048x1xf32>
    %eq3A_161 = vector.broadcast %broadcast_in_dim3A_42 : vector<2048x1xi32> to vector<2048x8xi32>
    %eq3A_162 = arith.cmpi eq, %iota3A, %eq3A_161 : vector<2048x8xi32>
    %jit3A_163 = arith.constant 0.000000e+00 : f32
    %broadcast_in_dim3A_164 = vector.broadcast %jit3A_163 : f32 to vector<2048x8xf32>
    %select_n3A_165 = arith.select %eq3A_162, %add3A_152, %broadcast_in_dim3A_164 : vector<2048x8xi1>, vector<2048x8xf32>
    %reduce_sum3A_166 = arith.constant dense<0.000000e+00> : vector<2048xf32>
    %reduce_sum3A_167 = vector.multi_reduction <add>, %select_n3A_165, %reduce_sum3A_166 [1] : vector<2048x8xf32> to vector<2048xf32>
    %broadcast_in_dim3A_168 = vector.shape_cast %reduce_sum3A_167 : vector<2048xf32> to vector<2048x1xf32>
    %concatenate3A_169 = tpu.concatenate %broadcast_in_dim3A_160, %broadcast_in_dim3A_168 in 1 : vector<2048x1xf32>, vector<2048x1xf32> -> vector<2048x2xf32>
    %convert_element_type3A_170 = arith.fptosi %concatenate3A_169 : vector<2048x2xf32> to vector<2048x2xi32>
    %swap3A_171 = arith.constant 0 : index
    %swap3A_172 = arith.constant 0 : index
    %swap3A_173 = vector.load %arg4[%swap3A_171, %swap3A_172] : memref<2048x2xi32, #tpu.memory_space<vmem>>, vector<2048x2xi32>
    tpu.vector_store %arg4[%swap3A_171, %swap3A_172], %convert_element_type3A_170 {strides = array<i32>} : memref<2048x2xi32, #tpu.memory_space<vmem>>, vector<2048x2xi32>,
    %iota3A_174 = tpu.iota {dimensions = array<i32: 1>} : vector<1x32xi32>
    %convert_element_type3A_175 = arith.sitofp %iota3A_174 : vector<1x32xi32> to vector<1x32xf32>
    %broadcast_in_dim3A_176 = arith.constant 0.000000e+00 : f32
    %broadcast_in_dim3A_177 = vector.broadcast %broadcast_in_dim3A_176 : f32 to vector<1x32xf32>
    %slice3A_178 = vector.extract_strided_slice %sub3A_148 {offsets = [0, 0], sizes = [1, 1], strides = [1, 1]} : vector<1x8xf32> to vector<1x1xf32>
    %ge3A = vector.broadcast %slice3A_178 : vector<1x1xf32> to vector<1x32xf32>
    %ge3A_179 = arith.cmpf oge, %convert_element_type3A_175, %ge3A : vector<1x32xf32>
    %convert_element_type3A_180 = arith.extui %ge3A_179 : vector<1x32xi1> to vector<1x32xi32>
    %convert_element_type3A_181 = arith.sitofp %convert_element_type3A_180 : vector<1x32xi32> to vector<1x32xf32>
    %add3A_182 = arith.addf %broadcast_in_dim3A_177, %convert_element_type3A_181 : vector<1x32xf32>
    %slice3A_183 = vector.extract_strided_slice %sub3A_148 {offsets = [0, 1], sizes = [1, 1], strides = [1, 1]} : vector<1x8xf32> to vector<1x1xf32>
    %ge3A_184 = vector.broadcast %slice3A_183 : vector<1x1xf32> to vector<1x32xf32>
    %ge3A_185 = arith.cmpf oge, %convert_element_type3A_175, %ge3A_184 : vector<1x32xf32>
    %convert_element_type3A_186 = arith.extui %ge3A_185 : vector<1x32xi1> to vector<1x32xi32>
    %convert_element_type3A_187 = arith.sitofp %convert_element_type3A_186 : vector<1x32xi32> to vector<1x32xf32>
    %add3A_188 = arith.addf %add3A_182, %convert_element_type3A_187 : vector<1x32xf32>
    %slice3A_189 = vector.extract_strided_slice %sub3A_148 {offsets = [0, 2], sizes = [1, 1], strides = [1, 1]} : vector<1x8xf32> to vector<1x1xf32>
    %ge3A_190 = vector.broadcast %slice3A_189 : vector<1x1xf32> to vector<1x32xf32>
    %ge3A_191 = arith.cmpf oge, %convert_element_type3A_175, %ge3A_190 : vector<1x32xf32>
    %convert_element_type3A_192 = arith.extui %ge3A_191 : vector<1x32xi1> to vector<1x32xi32>
    %convert_element_type3A_193 = arith.sitofp %convert_element_type3A_192 : vector<1x32xi32> to vector<1x32xf32>
    %add3A_194 = arith.addf %add3A_188, %convert_element_type3A_193 : vector<1x32xf32>
    %slice3A_195 = vector.extract_strided_slice %sub3A_148 {offsets = [0, 3], sizes = [1, 1], strides = [1, 1]} : vector<1x8xf32> to vector<1x1xf32>
    %ge3A_196 = vector.broadcast %slice3A_195 : vector<1x1xf32> to vector<1x32xf32>
    %ge3A_197 = arith.cmpf oge, %convert_element_type3A_175, %ge3A_196 : vector<1x32xf32>
    %convert_element_type3A_198 = arith.extui %ge3A_197 : vector<1x32xi1> to vector<1x32xi32>
    %convert_element_type3A_199 = arith.sitofp %convert_element_type3A_198 : vector<1x32xi32> to vector<1x32xf32>
    %add3A_200 = arith.addf %add3A_194, %convert_element_type3A_199 : vector<1x32xf32>
    %slice3A_201 = vector.extract_strided_slice %sub3A_148 {offsets = [0, 4], sizes = [1, 1], strides = [1, 1]} : vector<1x8xf32> to vector<1x1xf32>
    %ge3A_202 = vector.broadcast %slice3A_201 : vector<1x1xf32> to vector<1x32xf32>
    %ge3A_203 = arith.cmpf oge, %convert_element_type3A_175, %ge3A_202 : vector<1x32xf32>
    %convert_element_type3A_204 = arith.extui %ge3A_203 : vector<1x32xi1> to vector<1x32xi32>
    %convert_element_type3A_205 = arith.sitofp %convert_element_type3A_204 : vector<1x32xi32> to vector<1x32xf32>
    %add3A_206 = arith.addf %add3A_200, %convert_element_type3A_205 : vector<1x32xf32>
    %slice3A_207 = vector.extract_strided_slice %sub3A_148 {offsets = [0, 5], sizes = [1, 1], strides = [1, 1]} : vector<1x8xf32> to vector<1x1xf32>
    %ge3A_208 = vector.broadcast %slice3A_207 : vector<1x1xf32> to vector<1x32xf32>
    %ge3A_209 = arith.cmpf oge, %convert_element_type3A_175, %ge3A_208 : vector<1x32xf32>
    %convert_element_type3A_210 = arith.extui %ge3A_209 : vector<1x32xi1> to vector<1x32xi32>
    %convert_element_type3A_211 = arith.sitofp %convert_element_type3A_210 : vector<1x32xi32> to vector<1x32xf32>
    %add3A_212 = arith.addf %add3A_206, %convert_element_type3A_211 : vector<1x32xf32>
    %slice3A_213 = vector.extract_strided_slice %sub3A_148 {offsets = [0, 6], sizes = [1, 1], strides = [1, 1]} : vector<1x8xf32> to vector<1x1xf32>
    %ge3A_214 = vector.broadcast %slice3A_213 : vector<1x1xf32> to vector<1x32xf32>
    %ge3A_215 = arith.cmpf oge, %convert_element_type3A_175, %ge3A_214 : vector<1x32xf32>
    %convert_element_type3A_216 = arith.extui %ge3A_215 : vector<1x32xi1> to vector<1x32xi32>
    %convert_element_type3A_217 = arith.sitofp %convert_element_type3A_216 : vector<1x32xi32> to vector<1x32xf32>
    %add3A_218 = arith.addf %add3A_212, %convert_element_type3A_217 : vector<1x32xf32>
    %slice3A_219 = vector.extract_strided_slice %sub3A_148 {offsets = [0, 7], sizes = [1, 1], strides = [1, 1]} : vector<1x8xf32> to vector<1x1xf32>
    %ge3A_220 = vector.broadcast %slice3A_219 : vector<1x1xf32> to vector<1x32xf32>
    %ge3A_221 = arith.cmpf oge, %convert_element_type3A_175, %ge3A_220 : vector<1x32xf32>
    %convert_element_type3A_222 = arith.extui %ge3A_221 : vector<1x32xi1> to vector<1x32xi32>
    %convert_element_type3A_223 = arith.sitofp %convert_element_type3A_222 : vector<1x32xi32> to vector<1x32xf32>
    %add3A_224 = arith.addf %add3A_218, %convert_element_type3A_223 : vector<1x32xf32>
    %sub3A_225 = arith.constant 1.000000e+00 : f32
    %sub3A_226 = vector.broadcast %sub3A_225 : f32 to vector<1x32xf32>
    %sub3A_227 = arith.subf %add3A_224, %sub3A_226 : vector<1x32xf32>
    %jit3A_228 = arith.constant 0.000000e+00 : f32
    %jit3A_229 = arith.constant 7.000000e+00 : f32
    %max3A_230 = vector.broadcast %jit3A_228 : f32 to vector<1x32xf32>
    %max3A_231 = arith.maximumf %max3A_230, %sub3A_227 : vector<1x32xf32>
    %min3A = vector.broadcast %jit3A_229 : f32 to vector<1x32xf32>
    %min3A_232 = arith.minimumf %min3A, %max3A_231 : vector<1x32xf32>
    %convert_element_type3A_233 = arith.fptosi %min3A_232 : vector<1x32xf32> to vector<1x32xi32>
    %swap3A_234 = arith.constant 0 : index
    %swap3A_235 = arith.constant 0 : index
    %swap3A_236 = vector.load %arg6[%swap3A_234, %swap3A_235] : memref<1x32xi32, #tpu.memory_space<vmem>>, vector<1x32xi32>
    tpu.vector_store %arg6[%swap3A_234, %swap3A_235], %convert_element_type3A_233 {strides = array<i32>} : memref<1x32xi32, #tpu.memory_space<vmem>>, vector<1x32xi32>,
    return
  }
}

module attributes {stable_mosaic.version = 14 : i64} {
  func.func @_gmm_kernel(%arg0: i32, %arg1: memref<23xi32, #tpu.memory_space<smem>>, %arg2: memref<256x1024xf32, #tpu.memory_space<vmem>>, %arg3: memref<1x1024x256xf32, #tpu.memory_space<vmem>>, %arg4: memref<1x1024x256xf32, #tpu.memory_space<vmem>>, %arg5: memref<1x256x1024xf32, #tpu.memory_space<vmem>>, %arg6: memref<256x1024xf32, #tpu.memory_space<vmem>>, %arg7: memref<1024x256xbf16, #tpu.memory_space<vmem>>, %arg8: memref<1024x256xbf16, #tpu.memory_space<vmem>>, %arg9: memref<256x1024xbf16, #tpu.memory_space<vmem>>) attributes {dimension_semantics = [#tpu.dimension_semantics<arbitrary>], iteration_bounds = array<i64: 23>, scalar_prefetch = 1 : i64, scratch_operands = 3 : i64, tpu.core_type = #tpu.core_type<tc>, window_params = [{transform_indices = @transform_0, window_bounds = array<i64: 256, 1024>}, {transform_indices = @transform_1, window_bounds = array<i64: 1, 1024, 256>}, {transform_indices = @transform_2, window_bounds = array<i64: 1, 1024, 256>}, {transform_indices = @transform_3, window_bounds = array<i64: 1, 256, 1024>}, {transform_indices = @transform_4, window_bounds = array<i64: 256, 1024>}]} {
    %eq3A = arith.constant 0 : i32
    %eq3A_0 = arith.cmpi eq, %arg0, %eq3A : i32
    %get3A = arith.index_cast %arg0 : i32 to index
    %get3A_1 = memref.load %arg1[%get3A] : memref<23xi32, #tpu.memory_space<smem>>
    %sub3A = arith.constant 1 : i32
    %sub3A_2 = arith.subi %arg0, %sub3A : i32
    %max3A = arith.constant 0 : i32
    %max3A_3 = arith.maxsi %sub3A_2, %max3A : i32
    %get3A_4 = arith.index_cast %max3A_3 : i32 to index
    %get3A_5 = memref.load %arg1[%get3A_4] : memref<23xi32, #tpu.memory_space<smem>>
    %ne3A = arith.cmpi ne, %get3A_1, %get3A_5 : i32
    %or3A = arith.ori %eq3A_0, %ne3A : i1
    %convert_element_type3A = arith.extui %or3A : i1 to i32
    %cond3A = arith.constant 0 : i32
    %cond3A_6 = arith.cmpi ne, %convert_element_type3A, %cond3A : i32
    scf.if %cond3A_6 {
      %get3A_36 = arith.constant 0 : index
      %get3A_37 = arith.constant 0 : index
      %get3A_38 = arith.constant 0 : index
      %get3A_39 = vector.load %arg3[%get3A_36, %get3A_37, %get3A_38] : memref<1x1024x256xf32, #tpu.memory_space<vmem>>, vector<1x1024x256xf32>
      %get3A_40 = vector.shape_cast %get3A_39 : vector<1x1024x256xf32> to vector<1024x256xf32>
      %convert_element_type3A_41 = arith.truncf %get3A_40 : vector<1024x256xf32> to vector<1024x256xbf16>
      %swap3A_42 = arith.constant 0 : index
      %swap3A_43 = arith.constant 0 : index
      %swap3A_44 = vector.load %arg7[%swap3A_42, %swap3A_43] : memref<1024x256xbf16, #tpu.memory_space<vmem>>, vector<1024x256xbf16>
      tpu.vector_store %arg7[%swap3A_42, %swap3A_43], %convert_element_type3A_41 {strides = array<i32>} : memref<1024x256xbf16, #tpu.memory_space<vmem>>, vector<1024x256xbf16>,
      %get3A_45 = arith.constant 0 : index
      %get3A_46 = arith.constant 0 : index
      %get3A_47 = arith.constant 0 : index
      %get3A_48 = vector.load %arg4[%get3A_45, %get3A_46, %get3A_47] : memref<1x1024x256xf32, #tpu.memory_space<vmem>>, vector<1x1024x256xf32>
      %get3A_49 = vector.shape_cast %get3A_48 : vector<1x1024x256xf32> to vector<1024x256xf32>
      %convert_element_type3A_50 = arith.truncf %get3A_49 : vector<1024x256xf32> to vector<1024x256xbf16>
      %swap3A_51 = arith.constant 0 : index
      %swap3A_52 = arith.constant 0 : index
      %swap3A_53 = vector.load %arg8[%swap3A_51, %swap3A_52] : memref<1024x256xbf16, #tpu.memory_space<vmem>>, vector<1024x256xbf16>
      tpu.vector_store %arg8[%swap3A_51, %swap3A_52], %convert_element_type3A_50 {strides = array<i32>} : memref<1024x256xbf16, #tpu.memory_space<vmem>>, vector<1024x256xbf16>,
      %get3A_54 = arith.constant 0 : index
      %get3A_55 = arith.constant 0 : index
      %get3A_56 = arith.constant 0 : index
      %get3A_57 = vector.load %arg5[%get3A_54, %get3A_55, %get3A_56] : memref<1x256x1024xf32, #tpu.memory_space<vmem>>, vector<1x256x1024xf32>
      %get3A_58 = vector.shape_cast %get3A_57 : vector<1x256x1024xf32> to vector<256x1024xf32>
      %convert_element_type3A_59 = arith.truncf %get3A_58 : vector<256x1024xf32> to vector<256x1024xbf16>
      %swap3A_60 = arith.constant 0 : index
      %swap3A_61 = arith.constant 0 : index
      %swap3A_62 = vector.load %arg9[%swap3A_60, %swap3A_61] : memref<256x1024xbf16, #tpu.memory_space<vmem>>, vector<256x1024xbf16>
      tpu.vector_store %arg9[%swap3A_60, %swap3A_61], %convert_element_type3A_59 {strides = array<i32>} : memref<256x1024xbf16, #tpu.memory_space<vmem>>, vector<256x1024xbf16>,
    } else {
    }
    %get3A_7 = arith.constant 0 : index
    %get3A_8 = arith.constant 0 : index
    %get3A_9 = vector.load %arg2[%get3A_7, %get3A_8] : memref<256x1024xf32, #tpu.memory_space<vmem>>, vector<256x1024xf32>
    %convert_element_type3A_10 = arith.truncf %get3A_9 : vector<256x1024xf32> to vector<256x1024xbf16>
    %get3A_11 = arith.constant 0 : index
    %get3A_12 = arith.constant 0 : index
    %get3A_13 = vector.load %arg7[%get3A_11, %get3A_12] : memref<1024x256xbf16, #tpu.memory_space<vmem>>, vector<1024x256xbf16>
    %dot_general3A = arith.constant dense<0.000000e+00> : vector<256x256xf32>
    %dot_general3A_14 = tpu.matmul %convert_element_type3A_10, %get3A_13, %dot_general3A {dimension_numbers = #tpu.dot_dimension_numbers<[1], [0], [0], [1], [0, 0, 1, 1], [], []>, transpose_lhs_hint = false} : vector<256x1024xbf16>, vector<1024x256xbf16>, vector<256x256xf32> -> vector<256x256xf32>
    %get3A_15 = arith.constant 0 : index
    %get3A_16 = arith.constant 0 : index
    %get3A_17 = vector.load %arg8[%get3A_15, %get3A_16] : memref<1024x256xbf16, #tpu.memory_space<vmem>>, vector<1024x256xbf16>
    %dot_general3A_18 = arith.constant dense<0.000000e+00> : vector<256x256xf32>
    %dot_general3A_19 = tpu.matmul %convert_element_type3A_10, %get3A_17, %dot_general3A_18 {dimension_numbers = #tpu.dot_dimension_numbers<[1], [0], [0], [1], [0, 0, 1, 1], [], []>, transpose_lhs_hint = false} : vector<256x1024xbf16>, vector<1024x256xbf16>, vector<256x256xf32> -> vector<256x256xf32>
    %logistic3A = arith.negf %dot_general3A_14 : vector<256x256xf32>
    %logistic3A_20 = math.exp %logistic3A : vector<256x256xf32>
    %logistic3A_21 = arith.constant 1.000000e+00 : f32
    %logistic3A_22 = vector.broadcast %logistic3A_21 : f32 to vector<256x256xf32>
    %logistic3A_23 = arith.addf %logistic3A_22, %logistic3A_20 : vector<256x256xf32>
    %logistic3A_24 = arith.divf %logistic3A_22, %logistic3A_23 : vector<256x256xf32>
    %mul3A = arith.mulf %dot_general3A_14, %logistic3A_24 : vector<256x256xf32>
    %mul3A_25 = arith.mulf %mul3A, %dot_general3A_19 : vector<256x256xf32>
    %convert_element_type3A_26 = arith.truncf %mul3A_25 : vector<256x256xf32> to vector<256x256xbf16>
    %get3A_27 = arith.constant 0 : index
    %get3A_28 = arith.constant 0 : index
    %get3A_29 = vector.load %arg9[%get3A_27, %get3A_28] : memref<256x1024xbf16, #tpu.memory_space<vmem>>, vector<256x1024xbf16>
    %dot_general3A_30 = arith.constant dense<0.000000e+00> : vector<256x1024xf32>
    %dot_general3A_31 = tpu.matmul %convert_element_type3A_26, %get3A_29, %dot_general3A_30 {dimension_numbers = #tpu.dot_dimension_numbers<[1], [0], [0], [1], [0, 0, 1, 1], [], []>, transpose_lhs_hint = false} : vector<256x256xbf16>, vector<256x1024xbf16>, vector<256x1024xf32> -> vector<256x1024xf32>
    %convert_element_type3A_32 = arith.truncf %dot_general3A_31 : vector<256x1024xf32> to vector<256x1024xbf16>
    %convert_element_type3A_33 = arith.extf %convert_element_type3A_32 : vector<256x1024xbf16> to vector<256x1024xf32>
    %swap3A = arith.constant 0 : index
    %swap3A_34 = arith.constant 0 : index
    %swap3A_35 = vector.load %arg6[%swap3A, %swap3A_34] : memref<256x1024xf32, #tpu.memory_space<vmem>>, vector<256x1024xf32>
    tpu.vector_store %arg6[%swap3A, %swap3A_34], %convert_element_type3A_33 {strides = array<i32>} : memref<256x1024xf32, #tpu.memory_space<vmem>>, vector<256x1024xf32>,
    return
  }
  func.func @transform_0(%arg0: i32, %arg1: memref<23xi32, #tpu.memory_space<smem>>) -> (i32, i32) {
    %c0_i32 = arith.constant 0 : i32
    %c0_i32_0 = arith.constant 0 : i32
    return %arg0, %c0_i32 : i32, i32
  }
  func.func @transform_1(%arg0: i32, %arg1: memref<23xi32, #tpu.memory_space<smem>>) -> (i32, i32, i32) {
    %get3A = arith.index_cast %arg0 : i32 to index
    %get3A_0 = memref.load %arg1[%get3A] : memref<23xi32, #tpu.memory_space<smem>>
    %c0_i32 = arith.constant 0 : i32
    %c0_i32_1 = arith.constant 0 : i32
    %c0_i32_2 = arith.constant 0 : i32
    return %get3A_0, %c0_i32, %c0_i32_1 : i32, i32, i32
  }
  func.func @transform_2(%arg0: i32, %arg1: memref<23xi32, #tpu.memory_space<smem>>) -> (i32, i32, i32) {
    %get3A = arith.index_cast %arg0 : i32 to index
    %get3A_0 = memref.load %arg1[%get3A] : memref<23xi32, #tpu.memory_space<smem>>
    %c0_i32 = arith.constant 0 : i32
    %c0_i32_1 = arith.constant 0 : i32
    %c0_i32_2 = arith.constant 0 : i32
    return %get3A_0, %c0_i32, %c0_i32_1 : i32, i32, i32
  }
  func.func @transform_3(%arg0: i32, %arg1: memref<23xi32, #tpu.memory_space<smem>>) -> (i32, i32, i32) {
    %get3A = arith.index_cast %arg0 : i32 to index
    %get3A_0 = memref.load %arg1[%get3A] : memref<23xi32, #tpu.memory_space<smem>>
    %c0_i32 = arith.constant 0 : i32
    %c0_i32_1 = arith.constant 0 : i32
    %c0_i32_2 = arith.constant 0 : i32
    return %get3A_0, %c0_i32, %c0_i32_1 : i32, i32, i32
  }
  func.func @transform_4(%arg0: i32, %arg1: memref<23xi32, #tpu.memory_space<smem>>) -> (i32, i32) {
    %c0_i32 = arith.constant 0 : i32
    %c0_i32_0 = arith.constant 0 : i32
    return %arg0, %c0_i32 : i32, i32
  }
}

module attributes {stable_mosaic.version = 14 : i64} {
  func.func @_final_kernel(%arg0: i32, %arg1: memref<512x1024xbf16, #tpu.memory_space<vmem>>, %arg2: memref<512x1024xf32, #tpu.memory_space<vmem>>, %arg3: memref<512x1024xf32, #tpu.memory_space<vmem>>, %arg4: memref<512x2xf32, #tpu.memory_space<vmem>>, %arg5: memref<1024x256xbf16, #tpu.memory_space<vmem>>, %arg6: memref<1024x256xbf16, #tpu.memory_space<vmem>>, %arg7: memref<256x1024xbf16, #tpu.memory_space<vmem>>, %arg8: memref<512x1024xf32, #tpu.memory_space<vmem>>) attributes {dimension_semantics = [#tpu.dimension_semantics<arbitrary>], iteration_bounds = array<i64: 4>, scalar_prefetch = 0 : i64, scratch_operands = 0 : i64, tpu.core_type = #tpu.core_type<tc>, window_params = [{transform_indices = @transform_0, window_bounds = array<i64: 512, 1024>}, {transform_indices = @transform_1, window_bounds = array<i64: 512, 1024>}, {transform_indices = @transform_2, window_bounds = array<i64: 512, 1024>}, {transform_indices = @transform_3, window_bounds = array<i64: 512, 2>}, {pipeline_mode = #tpu.pipeline_mode<synchronous>, transform_indices = @transform_4, window_bounds = array<i64: 1024, 256>}, {pipeline_mode = #tpu.pipeline_mode<synchronous>, transform_indices = @transform_5, window_bounds = array<i64: 1024, 256>}, {pipeline_mode = #tpu.pipeline_mode<synchronous>, transform_indices = @transform_6, window_bounds = array<i64: 256, 1024>}, {transform_indices = @transform_7, window_bounds = array<i64: 512, 1024>}]} {
    %get3A = arith.constant 0 : index
    %get3A_0 = arith.constant 0 : index
    %get3A_1 = vector.load %arg1[%get3A, %get3A_0] : memref<512x1024xbf16, #tpu.memory_space<vmem>>, vector<512x1024xbf16>
    %get3A_2 = arith.constant 0 : index
    %get3A_3 = arith.constant 0 : index
    %get3A_4 = vector.load %arg5[%get3A_2, %get3A_3] : memref<1024x256xbf16, #tpu.memory_space<vmem>>, vector<1024x256xbf16>
    %dot_general3A = arith.constant dense<0.000000e+00> : vector<512x256xf32>
    %dot_general3A_5 = tpu.matmul %get3A_1, %get3A_4, %dot_general3A {dimension_numbers = #tpu.dot_dimension_numbers<[1], [0], [0], [1], [0, 0, 1, 1], [], []>, transpose_lhs_hint = false} : vector<512x1024xbf16>, vector<1024x256xbf16>, vector<512x256xf32> -> vector<512x256xf32>
    %get3A_6 = arith.constant 0 : index
    %get3A_7 = arith.constant 0 : index
    %get3A_8 = vector.load %arg6[%get3A_6, %get3A_7] : memref<1024x256xbf16, #tpu.memory_space<vmem>>, vector<1024x256xbf16>
    %dot_general3A_9 = arith.constant dense<0.000000e+00> : vector<512x256xf32>
    %dot_general3A_10 = tpu.matmul %get3A_1, %get3A_8, %dot_general3A_9 {dimension_numbers = #tpu.dot_dimension_numbers<[1], [0], [0], [1], [0, 0, 1, 1], [], []>, transpose_lhs_hint = false} : vector<512x1024xbf16>, vector<1024x256xbf16>, vector<512x256xf32> -> vector<512x256xf32>
    %logistic3A = arith.negf %dot_general3A_5 : vector<512x256xf32>
    %logistic3A_11 = math.exp %logistic3A : vector<512x256xf32>
    %logistic3A_12 = arith.constant 1.000000e+00 : f32
    %logistic3A_13 = vector.broadcast %logistic3A_12 : f32 to vector<512x256xf32>
    %logistic3A_14 = arith.addf %logistic3A_13, %logistic3A_11 : vector<512x256xf32>
    %logistic3A_15 = arith.divf %logistic3A_13, %logistic3A_14 : vector<512x256xf32>
    %mul3A = arith.mulf %dot_general3A_5, %logistic3A_15 : vector<512x256xf32>
    %mul3A_16 = arith.mulf %mul3A, %dot_general3A_10 : vector<512x256xf32>
    %convert_element_type3A = arith.truncf %mul3A_16 : vector<512x256xf32> to vector<512x256xbf16>
    %get3A_17 = arith.constant 0 : index
    %get3A_18 = arith.constant 0 : index
    %get3A_19 = vector.load %arg7[%get3A_17, %get3A_18] : memref<256x1024xbf16, #tpu.memory_space<vmem>>, vector<256x1024xbf16>
    %dot_general3A_20 = arith.constant dense<0.000000e+00> : vector<512x1024xf32>
    %dot_general3A_21 = tpu.matmul %convert_element_type3A, %get3A_19, %dot_general3A_20 {dimension_numbers = #tpu.dot_dimension_numbers<[1], [0], [0], [1], [0, 0, 1, 1], [], []>, transpose_lhs_hint = false} : vector<512x256xbf16>, vector<256x1024xbf16>, vector<512x1024xf32> -> vector<512x1024xf32>
    %get3A_22 = arith.constant 0 : index
    %get3A_23 = arith.constant 0 : index
    %get3A_24 = vector.load %arg4[%get3A_22, %get3A_23] : memref<512x2xf32, #tpu.memory_space<vmem>>, vector<512x2xf32>
    %convert_element_type3A_25 = arith.truncf %get3A_24 : vector<512x2xf32> to vector<512x2xbf16>
    %convert_element_type3A_26 = arith.extf %convert_element_type3A_25 : vector<512x2xbf16> to vector<512x2xf32>
    %slice3A = vector.extract_strided_slice %convert_element_type3A_26 {offsets = [0, 0], sizes = [512, 1], strides = [1, 1]} : vector<512x2xf32> to vector<512x1xf32>
    %get3A_27 = arith.constant 0 : index
    %get3A_28 = arith.constant 0 : index
    %get3A_29 = vector.load %arg2[%get3A_27, %get3A_28] : memref<512x1024xf32, #tpu.memory_space<vmem>>, vector<512x1024xf32>
    %mul3A_30 = vector.broadcast %slice3A : vector<512x1xf32> to vector<512x1024xf32>
    %mul3A_31 = arith.mulf %mul3A_30, %get3A_29 : vector<512x1024xf32>
    %add3A = arith.addf %dot_general3A_21, %mul3A_31 : vector<512x1024xf32>
    %slice3A_32 = vector.extract_strided_slice %convert_element_type3A_26 {offsets = [0, 1], sizes = [512, 1], strides = [1, 1]} : vector<512x2xf32> to vector<512x1xf32>
    %get3A_33 = arith.constant 0 : index
    %get3A_34 = arith.constant 0 : index
    %get3A_35 = vector.load %arg3[%get3A_33, %get3A_34] : memref<512x1024xf32, #tpu.memory_space<vmem>>, vector<512x1024xf32>
    %mul3A_36 = vector.broadcast %slice3A_32 : vector<512x1xf32> to vector<512x1024xf32>
    %mul3A_37 = arith.mulf %mul3A_36, %get3A_35 : vector<512x1024xf32>
    %add3A_38 = arith.addf %add3A, %mul3A_37 : vector<512x1024xf32>
    %swap3A = arith.constant 0 : index
    %swap3A_39 = arith.constant 0 : index
    %swap3A_40 = vector.load %arg8[%swap3A, %swap3A_39] : memref<512x1024xf32, #tpu.memory_space<vmem>>, vector<512x1024xf32>
    tpu.vector_store %arg8[%swap3A, %swap3A_39], %add3A_38 {strides = array<i32>} : memref<512x1024xf32, #tpu.memory_space<vmem>>, vector<512x1024xf32>,
    return
  }
  func.func @transform_0(%arg0: i32) -> (i32, i32) {
    %c0_i32 = arith.constant 0 : i32
    %c0_i32_0 = arith.constant 0 : i32
    return %arg0, %c0_i32 : i32, i32
  }
  func.func @transform_1(%arg0: i32) -> (i32, i32) {
    %c0_i32 = arith.constant 0 : i32
    %c0_i32_0 = arith.constant 0 : i32
    return %arg0, %c0_i32 : i32, i32
  }
  func.func @transform_2(%arg0: i32) -> (i32, i32) {
    %c0_i32 = arith.constant 0 : i32
    %c0_i32_0 = arith.constant 0 : i32
    return %arg0, %c0_i32 : i32, i32
  }
  func.func @transform_3(%arg0: i32) -> (i32, i32) {
    %c0_i32 = arith.constant 0 : i32
    %c0_i32_0 = arith.constant 0 : i32
    return %arg0, %c0_i32 : i32, i32
  }
  func.func @transform_4(%arg0: i32) -> (i32, i32) {
    %c0_i32 = arith.constant 0 : i32
    %c0_i32_0 = arith.constant 0 : i32
    %c0_i32_1 = arith.constant 0 : i32
    return %c0_i32, %c0_i32_0 : i32, i32
  }
  func.func @transform_5(%arg0: i32) -> (i32, i32) {
    %c0_i32 = arith.constant 0 : i32
    %c0_i32_0 = arith.constant 0 : i32
    %c0_i32_1 = arith.constant 0 : i32
    return %c0_i32, %c0_i32_0 : i32, i32
  }
  func.func @transform_6(%arg0: i32) -> (i32, i32) {
    %c0_i32 = arith.constant 0 : i32
    %c0_i32_0 = arith.constant 0 : i32
    %c0_i32_1 = arith.constant 0 : i32
    return %c0_i32, %c0_i32_0 : i32, i32
  }
  func.func @transform_7(%arg0: i32) -> (i32, i32) {
    %c0_i32 = arith.constant 0 : i32
    %c0_i32_0 = arith.constant 0 : i32
    return %arg0, %c0_i32 : i32, i32
  }
}

</mosaic_0001>

<sc_bundles>
// kernel: kernel.10.cloned.1.call-start
scs
__scs_entry_jumppad:
0x0: {  	(pc) =	sbr.rel $0x88, $3  }
0x1: {  	(tag) =	ssettag $0x0;
	lr =	simm.s32 $0x1  }
0x2: {  	[smem:$0x3F98] =	sst lr;
	_ =	strace $0xD0000000  }
0x3: {  	_ = 	snop  }
0x4: {  	_ = 	snop  }
0x5: {  	_ = 	snop  }
0x6: {  	_ = 	snop  }
0x7: {  	_ = 	snop  }
__scs_overlays_trampoline_lowered:
0x8: {  	[smem:$0x3FA7] =	sst s0  }
0x9: {  	[smem:$0x3FA8] =	sst s1  }
0xa: {  	[smem:$0x3FA9] =	sst s2  }
0xb: {  	[smem:$0x3FAA] =	sst s3  }
0xc: {  	[smem:$0x3FAB] =	sst s4  }
0xd: {  	[smem:$0x3FAC] =	sst s5  }
0xe: {  	[smem:$0x3FAD] =	sst s6  }
0xf: {  	[smem:$0x3FAE] =	sst s7  }
0x10: {  	[smem:$0x3FAF] =	sst s8  }
0x11: {  	[smem:$0x3FB0] =	sst s9;
	s0 =	simm.s32 @!p0 $0x0  }
0x12: {  	s1 =	sld [smem:$0x3F96];
	s0 =	simm.s32 @p0 $0x1  }
0x13: {  	[smem:$0x3FB1] =	sst s0;
	s0 =	simm.s32 @!p1 $0x0  }
0x14: {  	s2 =	sld [smem:$0x3F95];
	s0 =	simm.s32 @p1 $0x1  }
0x15: {  	[smem:$0x3FB2] =	sst s0;
	s0 =	simm.s32 @!p2 $0x0  }
0x16: {  	s3 =	sld [smem:$0x3FDB];
	s0 =	simm.s32 @p2 $0x1  }
0x17: {  	s4 =	simm.s32 $0x1BF5;
	[smem:$0x3FB4] =	sst s0  }
0x18: {  	s0 =	sld [smem:$0x3F97];
	_ =	swait.ge [sflag:s4], $0x0  }
0x19: {  	s7 =	sld [smem:$0x3F98]  }
0x1a: {  	s8 =	sadd.s32 $0xFFFFE003, lr  }
0x1b: {  	s9 =	sadd.s32 $0xFFFFFEF7, lr;
	s5 =	simm.s32 $0xFFFFFFFF;
	p2 =	slt.u32 s8, $0xFFFFF086  }
0x1c: {  	p1 =	slt.u32 s9, $0xF7A;
	s5 =	simm.s32 @!p2 $0x0  }
0x1d: {  	s5 =	simm.s32 @p1 $0x1;
	p0 =	seq.s32 s7, s2  }
0x1e: {  	s7 =	smul.u32 @!p0 $0xF7A, s2;
	p2 =	seq.s32 @!p0 s5, $0x0  }
0x1f: {  	s9 =	smul.u32 $0xF7A, s1;
	s8 =	simm.s32 @!p0 $0x1BF5;
	p2 =	por !p2, p0  }
0x20: {  	[sflag:s8] =	ssyncset.s32 @!p0 $0xFFFFF086;
	s6 =	sadd.s32 @!p0 s3, s7;
	s7 =	simm.s32 @!p0 $0x108  }
0x21: {  	s3 =	sadd.s32 s3, s9;
	s6 =	sadd.s32 @!p0 $0x88, s6;
	s7 =	simm.s32 @p2 $0x1082  }
0x22: {  	[simem:s7], [sflag:s8] =	dma.local @!p0 [hbm:s6], $0xF7A  }
0x23: {  	s9 =	sor.u32 $0xD0000000, s2;
	s6 =	simm.s32 $0x108;
	_ =	swait.ge @!p0 [sflag:s8], $0x0  }
0x24: {  	s3 =	sadd.s32 $0x88, s3;
	s6 =	simm.s32 @!p1 $0x1082;
	[sflag:s4] =	ssyncset.s32 $0xFFFFF086  }
0x25: {  	[simem:s6], [sflag:s4] =	dma.local [hbm:s3], $0xF7A  }
0x26: {  	[smem:$0x3F98] =	sst s1;
	(tag) =	ssettag s2;
	_ =	strace s9  }
0x27: {  	s1 =	sld [smem:$0x3FA8]  }
0x28: {  	s2 =	sld [smem:$0x3FA9]  }
0x29: {  	s4 =	sld [smem:$0x3FAB]  }
0x2a: {  	p0 =	seq.s32 s5, $0x0;
	s5 =	sld [smem:$0x3FAC]  }
0x2b: {  	s6 =	sld [smem:$0x3FAD]  }
0x2c: {  	s7 =	sld [smem:$0x3FAE]  }
0x2d: {  	s3 =	simm.s32 $0x108;
	s8 =	sld [smem:$0x3FAF]  }
0x2e: {  	s3 =	simm.s32 @!p0 $0x1082;
	s9 =	sld [smem:$0x3FB0]  }
0x2f: {  	lr =	sadd.s32 s0, s3;
	s0 =	sld [smem:$0x3FA7]  }
0x30: {  	s3 =	sld [smem:$0x3FAA]  }
0x31: {  	[smem:$0x3FB3] =	sst s10  }
0x32: {  	s10 =	sld [smem:$0x3FB1];
	_ =	sdelay $0x3  }
0x33: {  	p0 =	seq.s32 s10, $0x1;
	s10 =	sld [smem:$0x3FB3];
	_ =	sdelay $0x3  }
0x34: {  	[smem:$0x3FB3] =	sst s10  }
0x35: {  	s10 =	sld [smem:$0x3FB2];
	_ =	sdelay $0x3  }
0x36: {  	p1 =	seq.s32 s10, $0x1;
	s10 =	sld [smem:$0x3FB3];
	_ =	sdelay $0x3  }
0x37: {  	[smem:$0x3FB3] =	sst s10  }
0x38: {  	s10 =	sld [smem:$0x3FB4]  }
0x39: {  	_ = 	snop;
	(pc) =	sbr.ind lr, $3  }
0x3a: {  	_ = 	snop  }
0x3b: {  	_ = 	snop  }
0x3c: {  	p2 =	seq.s32 s10, $0x1;
	s10 =	sld [smem:$0x3FB3]  }
0x3d: {  	_ =	shalt  }
0x3e: {  	_ =	shalt  }
0x3f: {  	_ =	shalt  }
0x40: {  	_ =	shalt  }
0x41: {  	_ =	shalt  }
0x42: {  	_ =	shalt  }
0x43: {  	_ =	shalt  }
0x44: {  	_ =	shalt  }
0x45: {  	_ =	shalt  }
0x46: {  	_ =	shalt  }
0x47: {  	_ =	shalt  }
0x48: {  	_ =	shalt  }
0x49: {  	_ =	shalt  }
0x4a: {  	_ =	shalt  }
0x4b: {  	_ =	shalt  }
0x4c: {  	_ =	shalt  }
0x4d: {  	_ =	shalt  }
0x4e: {  	_ =	shalt  }
0x4f: {  	_ =	shalt  }
0x50: {  	_ =	shalt  }
0x51: {  	_ =	shalt  }
0x52: {  	_ =	shalt  }
0x53: {  	_ =	shalt  }
0x54: {  	_ =	shalt  }
0x55: {  	_ =	shalt  }
0x56: {  	_ =	shalt  }
0x57: {  	_ =	shalt  }
0x58: {  	_ =	shalt  }
0x59: {  	_ =	shalt  }
0x5a: {  	_ =	shalt  }
0x5b: {  	_ =	shalt  }
0x5c: {  	_ =	shalt  }
0x5d: {  	_ =	shalt  }
0x5e: {  	_ =	shalt  }
0x5f: {  	_ =	shalt  }
0x60: {  	_ =	shalt  }
0x61: {  	_ =	shalt  }
0x62: {  	_ =	shalt  }
0x63: {  	_ =	shalt  }
0x64: {  	_ =	shalt  }
0x65: {  	_ =	shalt  }
0x66: {  	_ =	shalt  }
0x67: {  	_ =	shalt  }
0x68: {  	_ =	shalt  }
0x69: {  	_ =	shalt  }
0x6a: {  	_ =	shalt  }
0x6b: {  	_ =	shalt  }
0x6c: {  	_ =	shalt  }
0x6d: {  	_ =	shalt  }
0x6e: {  	_ =	shalt  }
0x6f: {  	_ =	shalt  }
0x70: {  	_ =	shalt  }
0x71: {  	_ =	shalt  }
0x72: {  	_ =	shalt  }
0x73: {  	_ =	shalt  }
0x74: {  	_ =	shalt  }
0x75: {  	_ =	shalt  }
0x76: {  	_ =	shalt  }
0x77: {  	_ =	shalt  }
0x78: {  	_ =	shalt  }
0x79: {  	_ =	shalt  }
0x7a: {  	_ =	shalt  }
0x7b: {  	_ =	shalt  }
0x7c: {  	_ =	shalt  }
0x7d: {  	_ =	shalt  }
0x7e: {  	_ =	shalt  }
0x7f: {  	_ =	shalt  }
0x80: {  	_ =	shalt  }
0x81: {  	_ =	shalt  }
0x82: {  	_ =	shalt  }
0x83: {  	_ =	shalt  }
0x84: {  	_ =	shalt  }
0x85: {  	_ =	shalt  }
0x86: {  	_ =	shalt  }
0x87: {  	_ =	shalt  }
.Lfunc_end0:
.L_simem_size_0:
called_computation.1_lowered:
.L_overlay_start_0:
0x88: {  	s2 =	sld [smem:$0x3FD9]  }
0x89: {  	s3 =	sld [smem:$0x3FFE];
	_ =	sdelay $0x1  }
0x8a: {  	s1 =	srdreg.scid  }
0x8b: {  	s0 =	sand.u32 $0x1, s1  }
0x8c: {  	s17 =	sshll.u32 s0, $0xA;
	s2 =	sadd.s32 s3, s2  }
0x8d: {  	s2 =	sadd.s32 s2, s17  }
0x8e: {  	[smem:$0x3FBF] =	sst s2  }
0x8f: {  	_ = 	snop  }
0x90: {  	s2 =	sld [smem:$0x3FD0];
	(tm) =	ssettm $0x1  }
0x91: {  	s18 =	sld [smem:$0x3FFB];
	_ =	sdelay $0x3  }
0x92: {  	_ =	strace s18  }
0x93: {  	s3 =	sld [smem:$0x3FFC];
	_ =	sdelay $0x3  }
0x94: {  	_ =	strace s3  }
0x95: {  	s3 =	sld [smem:$0x3FFD];
	_ =	sdelay $0x3  }
0x96: {  	_ =	strace s3  }
0x97: {  	_ =	strace $0x8FFFFFFF  }
0x98: {  	s19 =	sld [smem:$0x3FDB];
	_ =	sdelay $0x1  }
0x99: {  	s4 =	simm.s32 $_scs_section_size  }
0x9a: {  	s5 =	simm.s32 $_size__tile_overlayer_lowered;
	s6 =	simm.s32 $_tile_overlayer_lowered  }
0x9b: {  	s22 =	simm.s32 $0x1BFF;
	s21 =	sshll.u32 s6, $0x1;
	s3 =	sadd.s32 s4, s19  }
0x9c: {  	s7 =	simm.s32 $0x0;
	s20 =	sshll.u32 s5, $0x1;
	s5 =	sadd.s32 s21, s3  }
0x9d: {  	[timem:s7], [sflag:s22] =	dma.local [hbm:s5], s20  }
0x9e: {  	_ =	swait.ge [sflag:s22], s20  }
0x9f: {  	s4 =	ssub.s32 $0x0, s20;
	[sflag:s22] =	ssyncset.done $0x0  }
0xa0: {  	[sflag:s22] =	ssyncadd.s32 s4;
	_ =	sdelay $0x1  }
0xa1: {  	s23 =	simm.s32 $0x1B8B  }
0xa2: {  	_ =	swait.ge [sflag:s23], $0x1  }
0xa3: {  	[sflag:s23] =	ssyncset.done $0x0  }
0xa4: {  	s25 =	simm.s32 $0x1B8E;
	s24 =	sld [smem:$0x3FFE];
	[sflag:s23] =	ssyncadd.s32 $0xFFFFFFFF  }
0xa5: {  	s26 =	simm.s32 $execute0_lowered;
	[smem:$0x3FD2] =	sst s25  }
0xa6: {  	s5 =	sshll.u32 s26, $0x1;
	_ =	strace $0x80000049;
	[dreg:$0x1] =	wrdreg $0xFFFFFFFF  }
0xa7: {  	s28 =	simm.s32 $_size_execute0_lowered;
	s3 =	sadd.s32 s3, s5;
	[dreg:$0x0] =	wrdreg $0x0  }
0xa8: {  	s5 =	sshll.u32 s28, $0x1;
	[dreg:$0x2] =	wrdreg s3  }
0xa9: {  	[dreg:$0x3] =	wrdreg s5  }
0xaa: {  	[dreg:$0x4] =	wrdreg $0xC0  }
0xab: {  	_ =	task [dreg:s7], $0x5FFFF  }
0xac: {  	[dreg:$0x1] =	wrdreg $0xFFFFFFFF  }
0xad: {  	[dreg:$0x0] =	wrdreg $0x60  }
0xae: {  	[dreg:$0x2] =	wrdreg s24  }
0xaf: {  	[dreg:$0x3] =	wrdreg s2  }
0xb0: {  	[dreg:$0x4] =	wrdreg $0x9  }
0xb1: {  	_ =	task.clear_ibuf [dreg:s7], $0x5FFFF;
	_ =	strace $0x90000049  }
0xb2: {  	s29 =	simm.s32 $0x9;
	_ =	strace $0x8000004B  }
0xb3: {  	_ =	swait.ge [sflag:s29], $0x1  }
0xb4: {  	[sflag:s29] =	ssyncadd.s32 $0xFFFFFFFF  }
0xb5: {  	_ =	strace $0x9000004B  }
0xb6: {  	_ =	sfence  }
0xb7: {  	s30 =	sld [smem:$0x0];
	_ =	sdelay $0x2  }
0xb8: {  	s31 =	sshll.u32 s1, $0xD;
	s1 =	sshrl.u32 s1, $0x2  }
0xb9: {  	s3 =	sand.u32 $0x4000, s31;
	s1 =	sadd.s32 s1, s30  }
0xba: {  	s0 =	sor.u32 s3, s0;
	s1 =	sshll.u32 s1, $0x11  }
0xbb: {  	s0 =	sor.u32 s1, s0  }
0xbc: {  	s0 =	sadd.s32 $0x8F2B, s0  }
0xbd: {  	[sflag:s0] =	ssyncadd.remote.s32 $0x1  }
0xbe: {  	_ =	sfence.sel $0xFFFF  }
0xbf: {  	[dreg:$0x0] =	wrdreg $0xFFFFFFFF;
	(pc) =	sbr.abs _section_cstart, $3  }
0xc0: {  	[dreg:$0x1] =	wrdreg $0xFFFFFFFF  }
0xc1: {  	_ =	task.clear_ibuf [dreg:s7], $0x2FFFF;
	_ =	strace $0x9FFFFFFF  }
0xc2: {  	(tm) =	ssettm $0x7FFFFFFF  }
0xc3: {  	_ =	shalt  }
tec
execute0_lowered:
.L_overlay_start_1:
0x0: {  	(tag) =	ssettag $0x1  }
0x1: {  	s0 =	rddreg [dreg:$0x0]  }
0x2: {  	s1 =	rddreg [dreg:$0x1];
	s3 =	srdreg.scid  }
0x3: {  	s2 =	simm.s32 $0x0;
	s5 =	stileid.u32;
	s18 =	simm.s32 $0x1  }
0x4: {  	s20 =	simm.s32 $0x880;
	s21 =	simm.s32 $0x1080;
	s28 =	simm.s32 $0x4080  }
0x5: {  	s29 =	simm.s32 $0x4880;
	s30 =	simm.s32 $0x5080;
	s31 =	simm.s32 $0x5880  }
0x6: {  	s10 =	simm.s32 $0x7080;
	s11 =	simm.s32 $0x7880;
	s12 =	simm.s32 $0x8080  }
0x7: {  	s13 =	simm.s32 $0x8880;
	s14 =	simm.s32 $0x9080;
	s15 =	simm.s32 $0x9880  }
0x8: {  	s16 =	simm.s32 $0xA080;
	s17 =	simm.s32 $0xA880;
	s9 =	simm.s32 $0xB080  }
0x9: {  	s4 =	sand.u32 $0x1, s3;
	[smem:$0x7FF] =	sst s2;
	s22 =	sshll.u32 s5, $0x7  }
0xa: {  	s3 =	sadd.s32 $0xBA000, s0;
	s23 =	sshll.u32 s4, $0x6;
	s4 =	ssub.s32 $0x2, s4  }
0xb: {  	_ =	strace $0x8000004A;
	s5 =	sor.u32 s23, s22;
	s7 =	sshrl.u32 s4, $0x1  }
0xc: {  	s22 =	simm.s32 $0x1880;
	s23 =	simm.s32 $0x2080;
	s6 =	sshrl.u32 s5, $0x3  }
0xd: {  	s5 =	sshll.u32 s5, $0x7;
	s7 =	ssub.s32 s4, s7;
	s4 =	sadd.s32 $0xBA100, s0  }
0xe: {  	s6 =	sadd.s32 s6, s0;
	s8 =	sadd.s32 s5, s0;
	s1 =	sadd.s32 s1, s5  }
0xf: {  	s5 =	sadd.s32 $0xBA200, s0;
	s24 =	sadd.s32 $0xB9E00, s6;
	[dreg:$0x4] =	wrdreg s1  }
0x10: {  	s7 =	smax.u32 s7, $0x1;
	s25 =	sadd.s32 $0xB9C00, s6;
	[dreg:$0x3] =	wrdreg s24  }
0x11: {  	v2 =	vlaneseq.u32;
	s6 =	sadd.s32 $0xBA300, s0;
	s26 =	sadd.s32 $0x1C00, s8;
	[dreg:$0x5] =	wrdreg s25  }
0x12: {  	vm0 =	vmmov $0xffff;
	v1 =	vshrl.u32 v2, $0x3;
	s8 =	simm.s32 $0x2;
	s0 =	simm.s32 $0x80;
	[dreg:$0x6] =	wrdreg s26  }
0x13: {  	v0 =	vand.u32 $0x7, v2;
	v2 =	vor.u32 $0x8, v2;
	v1 =	vmul.u32 $0x8, v1;
	s24 =	simm.s32 $0x2880;
	s25 =	simm.s32 $0x3080;
	s26 =	simm.s32 $0x3880  }
.LBB2_1:
0x14: {  	s19 =	rddreg [dreg:$0x3]  }
0x15: {  	[tilespmem:s2], [sflag:$0x2] =	stream.linear.gather [hbm4b:s19+s2], $0x40, $0x38;
	[tilespmem:$0x10080] =	vst v63  }
0x16: {  	_ =	swait.ge [sflag:s8], $0x40  }
0x17: {  	[sflag:s8] =	ssyncset.done $0x0  }
0x18: {  	[sflag:s8] =	ssyncadd.s32 $0xFFFFFFC0  }
0x19: {  	v3 =	vld [tilespmem:$0x0];
	_ =	sdelay $0x4  }
0x1a: {  	v4 =	vshll.u32 v3, $0x3  }
0x1b: {  	v3 =	vand.u32 $0x7, v3;
	v4 =	vand.u32 $0xFFFFFFC0, v4  }
0x1c: {  	v3 =	vor.u32 v3, v4  }
0x1d: {  	v4 =	vperm.xlane v3, v0;
	_ =	sdelay $0x1  }
0x1e: {  	v4 =	vadd.s32 v1, v4;
	_ =	sdelay $0x4  }
0x1f: {  	[tilespmem:s0], [sflag:$0x1] =	stream.indirect_vreg.gather [hbm4b:s3+s2], $0x80, v4, vm0, $0xb8;
	[tilespmem:$0x10080] =	vst v63  }
0x20: {  	v3 =	vperm.xlane v3, v2  }
0x21: {  	[tilespmem:s20], [sflag:$0x1] =	stream.indirect_vreg.gather [hbm4b:s4+s2], $0x80, v4, vm0, $0xb8;
	[tilespmem:$0x10080] =	vst v63  }
0x22: {  	v3 =	vadd.s32 v1, v3  }
0x23: {  	[tilespmem:s21], [sflag:$0x1] =	stream.indirect_vreg.gather [hbm4b:s5+s2], $0x80, v4, vm0, $0xb8;
	[tilespmem:$0x10080] =	vst v63  }
0x24: {  	_ = 	snop  }
0x25: {  	[tilespmem:s22], [sflag:$0x1] =	stream.indirect_vreg.gather [hbm4b:s6+s2], $0x80, v4, vm0, $0xb8;
	[tilespmem:$0x10080] =	vst v63  }
0x26: {  	_ = 	snop  }
0x27: {  	[tilespmem:s23], [sflag:$0x1] =	stream.indirect_vreg.gather [hbm4b:s3+s2], $0x80, v3, vm0, $0xb8;
	[tilespmem:$0x10080] =	vst v63  }
0x28: {  	_ = 	snop  }
0x29: {  	[tilespmem:s24], [sflag:$0x1] =	stream.indirect_vreg.gather [hbm4b:s4+s2], $0x80, v3, vm0, $0xb8;
	[tilespmem:$0x10080] =	vst v63  }
0x2a: {  	_ = 	snop  }
0x2b: {  	[tilespmem:s25], [sflag:$0x1] =	stream.indirect_vreg.gather [hbm4b:s5+s2], $0x80, v3, vm0, $0xb8;
	[tilespmem:$0x10080] =	vst v63  }
0x2c: {  	_ = 	snop  }
0x2d: {  	[tilespmem:s26], [sflag:$0x1] =	stream.indirect_vreg.gather [hbm4b:s6+s2], $0x80, v3, vm0, $0xb8;
	[tilespmem:$0x10080] =	vst v63  }
0x2e: {  	v3 =	vld [tilespmem:$0x10];
	_ =	sdelay $0x4  }
0x2f: {  	v57 =	vshll.u32 v3, $0x3  }
0x30: {  	v3 =	vand.u32 $0x7, v3;
	v4 =	vand.u32 $0xFFFFFFC0, v57  }
0x31: {  	v3 =	vor.u32 v3, v4  }
0x32: {  	v4 =	vperm.xlane v3, v0;
	_ =	sdelay $0x1  }
0x33: {  	v4 =	vadd.s32 v1, v4;
	_ =	sdelay $0x4  }
0x34: {  	[tilespmem:s28], [sflag:$0x1] =	stream.indirect_vreg.gather [hbm4b:s3+s2], $0x80, v4, vm0, $0xb8;
	[tilespmem:$0x10080] =	vst v63  }
0x35: {  	v3 =	vperm.xlane v3, v2  }
0x36: {  	[tilespmem:s29], [sflag:$0x1] =	stream.indirect_vreg.gather [hbm4b:s4+s2], $0x80, v4, vm0, $0xb8;
	[tilespmem:$0x10080] =	vst v63  }
0x37: {  	v3 =	vadd.s32 v1, v3  }
0x38: {  	[tilespmem:s30], [sflag:$0x1] =	stream.indirect_vreg.gather [hbm4b:s5+s2], $0x80, v4, vm0, $0xb8;
	[tilespmem:$0x10080] =	vst v63  }
0x39: {  	_ = 	snop  }
0x3a: {  	[tilespmem:s31], [sflag:$0x1] =	stream.indirect_vreg.gather [hbm4b:s6+s2], $0x80, v4, vm0, $0xb8;
	[tilespmem:$0x10080] =	vst v63  }
0x3b: {  	s1 =	simm.s32 $0x6080  }
0x3c: {  	[tilespmem:s1], [sflag:$0x1] =	stream.indirect_vreg.gather [hbm4b:s3+s2], $0x80, v3, vm0, $0xb8;
	[tilespmem:$0x10080] =	vst v63  }
0x3d: {  	s1 =	simm.s32 $0x6880  }
0x3e: {  	[tilespmem:s1], [sflag:$0x1] =	stream.indirect_vreg.gather [hbm4b:s4+s2], $0x80, v3, vm0, $0xb8;
	[tilespmem:$0x10080] =	vst v63  }
0x3f: {  	_ = 	snop  }
0x40: {  	[tilespmem:s10], [sflag:$0x1] =	stream.indirect_vreg.gather [hbm4b:s5+s2], $0x80, v3, vm0, $0xb8;
	[tilespmem:$0x10080] =	vst v63  }
0x41: {  	_ = 	snop  }
0x42: {  	[tilespmem:s11], [sflag:$0x1] =	stream.indirect_vreg.gather [hbm4b:s6+s2], $0x80, v3, vm0, $0xb8;
	[tilespmem:$0x10080] =	vst v63  }
0x43: {  	v3 =	vld [tilespmem:$0x20];
	_ =	sdelay $0x4  }
0x44: {  	v58 =	vshll.u32 v3, $0x3  }
0x45: {  	v3 =	vand.u32 $0x7, v3;
	v4 =	vand.u32 $0xFFFFFFC0, v58  }
0x46: {  	v3 =	vor.u32 v3, v4  }
0x47: {  	v4 =	vperm.xlane v3, v0;
	_ =	sdelay $0x1  }
0x48: {  	v4 =	vadd.s32 v1, v4;
	_ =	sdelay $0x4  }
0x49: {  	[tilespmem:s12], [sflag:$0x1] =	stream.indirect_vreg.gather [hbm4b:s3+s2], $0x80, v4, vm0, $0xb8;
	[tilespmem:$0x10080] =	vst v63  }
0x4a: {  	v3 =	vperm.xlane v3, v2  }
0x4b: {  	[tilespmem:s13], [sflag:$0x1] =	stream.indirect_vreg.gather [hbm4b:s4+s2], $0x80, v4, vm0, $0xb8;
	[tilespmem:$0x10080] =	vst v63  }
0x4c: {  	v3 =	vadd.s32 v1, v3  }
0x4d: {  	[tilespmem:s14], [sflag:$0x1] =	stream.indirect_vreg.gather [hbm4b:s5+s2], $0x80, v4, vm0, $0xb8;
	[tilespmem:$0x10080] =	vst v63  }
0x4e: {  	_ = 	snop  }
0x4f: {  	[tilespmem:s15], [sflag:$0x1] =	stream.indirect_vreg.gather [hbm4b:s6+s2], $0x80, v4, vm0, $0xb8;
	[tilespmem:$0x10080] =	vst v63  }
0x50: {  	_ = 	snop  }
0x51: {  	[tilespmem:s16], [sflag:$0x1] =	stream.indirect_vreg.gather [hbm4b:s3+s2], $0x80, v3, vm0, $0xb8;
	[tilespmem:$0x10080] =	vst v63  }
0x52: {  	_ = 	snop  }
0x53: {  	[tilespmem:s17], [sflag:$0x1] =	stream.indirect_vreg.gather [hbm4b:s4+s2], $0x80, v3, vm0, $0xb8;
	[tilespmem:$0x10080] =	vst v63  }
0x54: {  	_ = 	snop  }
0x55: {  	[tilespmem:s9], [sflag:$0x1] =	stream.indirect_vreg.gather [hbm4b:s5+s2], $0x80, v3, vm0, $0xb8;
	[tilespmem:$0x10080] =	vst v63  }
0x56: {  	s19 =	simm.s32 $0xB880  }
0x57: {  	[tilespmem:s19], [sflag:$0x1] =	stream.indirect_vreg.gather [hbm4b:s6+s2], $0x80, v3, vm0, $0xb8;
	[tilespmem:$0x10080] =	vst v63  }
0x58: {  	v3 =	vld [tilespmem:$0x30];
	_ =	sdelay $0x4  }
0x59: {  	v59 =	vshll.u32 v3, $0x3  }
0x5a: {  	v3 =	vand.u32 $0x7, v3;
	v4 =	vand.u32 $0xFFFFFFC0, v59  }
0x5b: {  	v3 =	vor.u32 v3, v4  }
0x5c: {  	v4 =	vperm.xlane v3, v0;
	_ =	sdelay $0x1  }
0x5d: {  	v4 =	vadd.s32 v1, v4;
	_ =	sdelay $0x3  }
0x5e: {  	s19 =	simm.s32 $0xC080  }
0x5f: {  	[tilespmem:s19], [sflag:$0x1] =	stream.indirect_vreg.gather [hbm4b:s3+s2], $0x80, v4, vm0, $0xb8;
	[tilespmem:$0x10080] =	vst v63  }
0x60: {  	v3 =	vperm.xlane v3, v2;
	s19 =	simm.s32 $0xC880  }
0x61: {  	[tilespmem:s19], [sflag:$0x1] =	stream.indirect_vreg.gather [hbm4b:s4+s2], $0x80, v4, vm0, $0xb8;
	[tilespmem:$0x10080] =	vst v63  }
0x62: {  	v3 =	vadd.s32 v1, v3;
	s19 =	simm.s32 $0xD080  }
0x63: {  	[tilespmem:s19], [sflag:$0x1] =	stream.indirect_vreg.gather [hbm4b:s5+s2], $0x80, v4, vm0, $0xb8;
	[tilespmem:$0x10080] =	vst v63  }
0x64: {  	s19 =	simm.s32 $0xD880  }
0x65: {  	[tilespmem:s19], [sflag:$0x1] =	stream.indirect_vreg.gather [hbm4b:s6+s2], $0x80, v4, vm0, $0xb8;
	[tilespmem:$0x10080] =	vst v63  }
0x66: {  	s19 =	simm.s32 $0xE080  }
0x67: {  	[tilespmem:s19], [sflag:$0x1] =	stream.indirect_vreg.gather [hbm4b:s3+s2], $0x80, v3, vm0, $0xb8;
	[tilespmem:$0x10080] =	vst v63  }
0x68: {  	s19 =	simm.s32 $0xE880  }
0x69: {  	[tilespmem:s19], [sflag:$0x1] =	stream.indirect_vreg.gather [hbm4b:s4+s2], $0x80, v3, vm0, $0xb8;
	[tilespmem:$0x10080] =	vst v63  }
0x6a: {  	s19 =	simm.s32 $0xF080  }
0x6b: {  	[tilespmem:s19], [sflag:$0x1] =	stream.indirect_vreg.gather [hbm4b:s5+s2], $0x80, v3, vm0, $0xb8;
	[tilespmem:$0x10080] =	vst v63  }
0x6c: {  	s19 =	simm.s32 $0xF880  }
0x6d: {  	[tilespmem:s19], [sflag:$0x1] =	stream.indirect_vreg.gather [hbm4b:s6+s2], $0x80, v3, vm0, $0xb8;
	[tilespmem:$0x10080] =	vst v63  }
0x6e: {  	_ =	swait.ge [sflag:s18], $0x10000  }
0x6f: {  	[sflag:s18] =	ssyncset.done $0x0  }
0x70: {  	s19 =	rddreg [dreg:$0x4];
	[sflag:s18] =	ssyncadd.s32 $0xFFFF0000  }
0x71: {  	[hbm4b:s19+s2] =	stream.linear.scatter [tilespmem:s0], [sflag:$0x2], $0x10000, $0x38;
	[tilespmem:$0x10080] =	vst v63  }
0x72: {  	_ =	swait.ge [sflag:s8], $0x10000  }
0x73: {  	[sflag:s8] =	ssyncset.done $0x0  }
0x74: {  	s19 =	rddreg [dreg:$0x5];
	[sflag:s8] =	ssyncadd.s32 $0xFFFF0000  }
0x75: {  	[tilespmem:s2], [sflag:$0x2] =	stream.linear.gather [hbm4b:s19+s2], $0x40, $0x38;
	[tilespmem:$0x10080] =	vst v63  }
0x76: {  	_ =	swait.ge [sflag:s8], $0x40  }
0x77: {  	[sflag:s8] =	ssyncset.done $0x0  }
0x78: {  	[sflag:s8] =	ssyncadd.s32 $0xFFFFFFC0  }
0x79: {  	v3 =	vld [tilespmem:$0x0];
	_ =	sdelay $0x4  }
0x7a: {  	v60 =	vshll.u32 v3, $0x3  }
0x7b: {  	v3 =	vand.u32 $0x7, v3;
	v4 =	vand.u32 $0xFFFFFFC0, v60  }
0x7c: {  	v3 =	vor.u32 v3, v4  }
0x7d: {  	v4 =	vperm.xlane v3, v0;
	_ =	sdelay $0x1  }
0x7e: {  	v4 =	vadd.s32 v1, v4;
	_ =	sdelay $0x4  }
0x7f: {  	[tilespmem:s0], [sflag:$0x1] =	stream.indirect_vreg.gather [hbm4b:s3+s2], $0x80, v4, vm0, $0xb8;
	[tilespmem:$0x10080] =	vst v63  }
0x80: {  	v3 =	vperm.xlane v3, v2  }
0x81: {  	[tilespmem:s20], [sflag:$0x1] =	stream.indirect_vreg.gather [hbm4b:s4+s2], $0x80, v4, vm0, $0xb8;
	[tilespmem:$0x10080] =	vst v63  }
0x82: {  	v3 =	vadd.s32 v1, v3  }
0x83: {  	[tilespmem:s21], [sflag:$0x1] =	stream.indirect_vreg.gather [hbm4b:s5+s2], $0x80, v4, vm0, $0xb8;
	[tilespmem:$0x10080] =	vst v63  }
0x84: {  	_ = 	snop  }
0x85: {  	[tilespmem:s22], [sflag:$0x1] =	stream.indirect_vreg.gather [hbm4b:s6+s2], $0x80, v4, vm0, $0xb8;
	[tilespmem:$0x10080] =	vst v63  }
0x86: {  	_ = 	snop  }
0x87: {  	[tilespmem:s23], [sflag:$0x1] =	stream.indirect_vreg.gather [hbm4b:s3+s2], $0x80, v3, vm0, $0xb8;
	[tilespmem:$0x10080] =	vst v63  }
0x88: {  	_ = 	snop  }
0x89: {  	[tilespmem:s24], [sflag:$0x1] =	stream.indirect_vreg.gather [hbm4b:s4+s2], $0x80, v3, vm0, $0xb8;
	[tilespmem:$0x10080] =	vst v63  }
0x8a: {  	_ = 	snop  }
0x8b: {  	[tilespmem:s25], [sflag:$0x1] =	stream.indirect_vreg.gather [hbm4b:s5+s2], $0x80, v3, vm0, $0xb8;
	[tilespmem:$0x10080] =	vst v63  }
0x8c: {  	_ = 	snop  }
0x8d: {  	[tilespmem:s26], [sflag:$0x1] =	stream.indirect_vreg.gather [hbm4b:s6+s2], $0x80, v3, vm0, $0xb8;
	[tilespmem:$0x10080] =	vst v63  }
0x8e: {  	v3 =	vld [tilespmem:$0x10];
	_ =	sdelay $0x4  }
0x8f: {  	v61 =	vshll.u32 v3, $0x3  }
0x90: {  	v3 =	vand.u32 $0x7, v3;
	v4 =	vand.u32 $0xFFFFFFC0, v61  }
0x91: {  	v3 =	vor.u32 v3, v4  }
0x92: {  	v4 =	vperm.xlane v3, v0;
	_ =	sdelay $0x1  }
0x93: {  	v4 =	vadd.s32 v1, v4;
	_ =	sdelay $0x4  }
0x94: {  	[tilespmem:s28], [sflag:$0x1] =	stream.indirect_vreg.gather [hbm4b:s3+s2], $0x80, v4, vm0, $0xb8;
	[tilespmem:$0x10080] =	vst v63  }
0x95: {  	v3 =	vperm.xlane v3, v2  }
0x96: {  	[tilespmem:s29], [sflag:$0x1] =	stream.indirect_vreg.gather [hbm4b:s4+s2], $0x80, v4, vm0, $0xb8;
	[tilespmem:$0x10080] =	vst v63  }
0x97: {  	v3 =	vadd.s32 v1, v3  }
0x98: {  	[tilespmem:s30], [sflag:$0x1] =	stream.indirect_vreg.gather [hbm4b:s5+s2], $0x80, v4, vm0, $0xb8;
	[tilespmem:$0x10080] =	vst v63  }
0x99: {  	_ = 	snop  }
0x9a: {  	[tilespmem:s31], [sflag:$0x1] =	stream.indirect_vreg.gather [hbm4b:s6+s2], $0x80, v4, vm0, $0xb8;
	[tilespmem:$0x10080] =	vst v63  }
0x9b: {  	s19 =	simm.s32 $0x6080  }
0x9c: {  	[tilespmem:s19], [sflag:$0x1] =	stream.indirect_vreg.gather [hbm4b:s3+s2], $0x80, v3, vm0, $0xb8;
	[tilespmem:$0x10080] =	vst v63  }
0x9d: {  	_ = 	snop  }
0x9e: {  	[tilespmem:s1], [sflag:$0x1] =	stream.indirect_vreg.gather [hbm4b:s4+s2], $0x80, v3, vm0, $0xb8;
	[tilespmem:$0x10080] =	vst v63  }
0x9f: {  	_ = 	snop  }
0xa0: {  	[tilespmem:s10], [sflag:$0x1] =	stream.indirect_vreg.gather [hbm4b:s5+s2], $0x80, v3, vm0, $0xb8;
	[tilespmem:$0x10080] =	vst v63  }
0xa1: {  	_ = 	snop  }
0xa2: {  	[tilespmem:s11], [sflag:$0x1] =	stream.indirect_vreg.gather [hbm4b:s6+s2], $0x80, v3, vm0, $0xb8;
	[tilespmem:$0x10080] =	vst v63  }
0xa3: {  	v3 =	vld [tilespmem:$0x20];
	_ =	sdelay $0x4  }
0xa4: {  	v62 =	vshll.u32 v3, $0x3  }
0xa5: {  	v3 =	vand.u32 $0x7, v3;
	v4 =	vand.u32 $0xFFFFFFC0, v62  }
0xa6: {  	v3 =	vor.u32 v3, v4  }
0xa7: {  	v4 =	vperm.xlane v3, v0;
	_ =	sdelay $0x1  }
0xa8: {  	v4 =	vadd.s32 v1, v4;
	_ =	sdelay $0x4  }
0xa9: {  	[tilespmem:s12], [sflag:$0x1] =	stream.indirect_vreg.gather [hbm4b:s3+s2], $0x80, v4, vm0, $0xb8;
	[tilespmem:$0x10080] =	vst v63  }
0xaa: {  	v3 =	vperm.xlane v3, v2  }
0xab: {  	[tilespmem:s13], [sflag:$0x1] =	stream.indirect_vreg.gather [hbm4b:s4+s2], $0x80, v4, vm0, $0xb8;
	[tilespmem:$0x10080] =	vst v63  }
0xac: {  	v3 =	vadd.s32 v1, v3  }
0xad: {  	[tilespmem:s14], [sflag:$0x1] =	stream.indirect_vreg.gather [hbm4b:s5+s2], $0x80, v4, vm0, $0xb8;
	[tilespmem:$0x10080] =	vst v63  }
0xae: {  	_ = 	snop  }
0xaf: {  	[tilespmem:s15], [sflag:$0x1] =	stream.indirect_vreg.gather [hbm4b:s6+s2], $0x80, v4, vm0, $0xb8;
	[tilespmem:$0x10080] =	vst v63  }
0xb0: {  	_ = 	snop  }
0xb1: {  	[tilespmem:s16], [sflag:$0x1] =	stream.indirect_vreg.gather [hbm4b:s3+s2], $0x80, v3, vm0, $0xb8;
	[tilespmem:$0x10080] =	vst v63  }
0xb2: {  	_ = 	snop  }
0xb3: {  	[tilespmem:s17], [sflag:$0x1] =	stream.indirect_vreg.gather [hbm4b:s4+s2], $0x80, v3, vm0, $0xb8;
	[tilespmem:$0x10080] =	vst v63  }
0xb4: {  	_ = 	snop  }
0xb5: {  	[tilespmem:s9], [sflag:$0x1] =	stream.indirect_vreg.gather [hbm4b:s5+s2], $0x80, v3, vm0, $0xb8;
	[tilespmem:$0x10080] =	vst v63  }
0xb6: {  	s19 =	simm.s32 $0xB880  }
0xb7: {  	[tilespmem:s19], [sflag:$0x1] =	stream.indirect_vreg.gather [hbm4b:s6+s2], $0x80, v3, vm0, $0xb8;
	[tilespmem:$0x10080] =	vst v63  }
0xb8: {  	v3 =	vld [tilespmem:$0x30];
	_ =	sdelay $0x4  }
0xb9: {  	v63 =	vshll.u32 v3, $0x3  }
0xba: {  	v3 =	vand.u32 $0x7, v3;
	v4 =	vand.u32 $0xFFFFFFC0, v63  }
0xbb: {  	v3 =	vor.u32 v3, v4  }
0xbc: {  	v4 =	vperm.xlane v3, v0;
	_ =	sdelay $0x1  }
0xbd: {  	v4 =	vadd.s32 v1, v4;
	_ =	sdelay $0x3  }
0xbe: {  	s19 =	simm.s32 $0xC080  }
0xbf: {  	[tilespmem:s19], [sflag:$0x1] =	stream.indirect_vreg.gather [hbm4b:s3+s2], $0x80, v4, vm0, $0xb8;
	[tilespmem:$0x10080] =	vst v63  }
0xc0: {  	v3 =	vperm.xlane v3, v2;
	s19 =	simm.s32 $0xC880  }
0xc1: {  	[tilespmem:s19], [sflag:$0x1] =	stream.indirect_vreg.gather [hbm4b:s4+s2], $0x80, v4, vm0, $0xb8;
	[tilespmem:$0x10080] =	vst v63  }
0xc2: {  	v3 =	vadd.s32 v1, v3;
	s19 =	simm.s32 $0xD080  }
0xc3: {  	[tilespmem:s19], [sflag:$0x1] =	stream.indirect_vreg.gather [hbm4b:s5+s2], $0x80, v4, vm0, $0xb8;
	[tilespmem:$0x10080] =	vst v63  }
0xc4: {  	s19 =	simm.s32 $0xD880  }
0xc5: {  	[tilespmem:s19], [sflag:$0x1] =	stream.indirect_vreg.gather [hbm4b:s6+s2], $0x80, v4, vm0, $0xb8;
	[tilespmem:$0x10080] =	vst v63  }
0xc6: {  	s19 =	simm.s32 $0xE080  }
0xc7: {  	[tilespmem:s19], [sflag:$0x1] =	stream.indirect_vreg.gather [hbm4b:s3+s2], $0x80, v3, vm0, $0xb8;
	[tilespmem:$0x10080] =	vst v63  }
0xc8: {  	s19 =	simm.s32 $0xE880  }
0xc9: {  	[tilespmem:s19], [sflag:$0x1] =	stream.indirect_vreg.gather [hbm4b:s4+s2], $0x80, v3, vm0, $0xb8;
	[tilespmem:$0x10080] =	vst v63  }
0xca: {  	s19 =	simm.s32 $0xF080  }
0xcb: {  	[tilespmem:s19], [sflag:$0x1] =	stream.indirect_vreg.gather [hbm4b:s5+s2], $0x80, v3, vm0, $0xb8;
	[tilespmem:$0x10080] =	vst v63  }
0xcc: {  	s19 =	simm.s32 $0xF880  }
0xcd: {  	[tilespmem:s19], [sflag:$0x1] =	stream.indirect_vreg.gather [hbm4b:s6+s2], $0x80, v3, vm0, $0xb8;
	[tilespmem:$0x10080] =	vst v63  }
0xce: {  	_ =	swait.ge [sflag:s18], $0x10000  }
0xcf: {  	p0 =	sne.s32 s7, $0x1;
	[sflag:s18] =	ssyncset.done $0x0  }
.Ltmp0:
0xd0: {  	s1 =	rddreg [dreg:$0x6];
	[sflag:s18] =	ssyncadd.s32 $0xFFFF0000;
	(pc) =	sbr.rel @p0 .LBB2_1-.Ltmp0, $4  }
0xd1: {  	[hbm4b:s1+s2] =	stream.linear.scatter [tilespmem:s0], [sflag:$0x2], $0x10000, $0x38;
	[tilespmem:$0x10080] =	vst v63  }
0xd2: {  	_ =	swait.ge [sflag:s8], $0x10000  }
0xd3: {  	[sflag:s8] =	ssyncset.done $0x0  }
0xd4: {  	s7 =	sadd.s32 $0xFFFFFFFF, s7;
	[sflag:s8] =	ssyncadd.s32 $0xFFFF0000  }
0xd5: {  	_ =	sfence.sel $0x180000  }
0xd6: {  	[bflag:$0x0] =	sbarrier.arrive $0xFFFF  }
0xd7: {  	_ =	strace $0x9000004A  }
0xd8: {  	s0 =	stileid.u32;
	[bflag:$0x2] =	sbarrier.arrive $0xFFFF  }
0xd9: {  	p0 =	sne.s32 s0, $0x0;
	s0 =	rddreg [dreg:$0x2]  }
0xda: {  	s0 =	sadd.s32 @!p0 $0x100000, s0  }
0xdb: {  	[sflag:s0] =	ssyncadd.tile.s32 @!p0 $0x1;
	_ =	shalt  }
.Lfunc_end2:
_tile_overlayer_lowered:
.L_overlay_start_2:
0xdc: {  	(tag) =	ssettag $0x2  }
0xdd: {  	s0 =	rddreg [dreg:$0x0];
	s2 =	stileid.u32  }
0xde: {  	s1 =	rddreg [dreg:$0x1];
	p0 =	sne.s32 s2, $0x0  }
0xdf: {  	s3 =	rddreg [dreg:$0x2];
	[bflag:$0x3] =	sbarrier.arrive $0xFFFF;
	s2 =	simm.s32 @!p0 $0x1C02  }
0xe0: {  	[timem:s3], [sflag:s2] =	dma.local @!p0 [hbm:s0], s1  }
0xe1: {  	s0 =	simm.s32 @!p0 $0x2  }
0xe2: {  	_ =	swait.ge @!p0 [sflag:s0], s1  }
0xe3: {  	s1 =	ssub.s32 @!p0 $0x0, s1;
	[sflag:s0] =	ssyncset.done @!p0 $0x0  }
0xe4: {  	[sflag:s0] =	ssyncadd.s32 @!p0 s1  }
0xe5: {  	[bflag:$0x3] =	sbarrier.arrive $0xFFFF  }
0xe6: {  	_ =	shalt  }

// kernel: kernel.7.cloned.1.call-start
scs
__scs_entry_jumppad:
0x0: {  	(pc) =	sbr.rel $0x88, $3  }
0x1: {  	(tag) =	ssettag $0x0;
	lr =	simm.s32 $0x1  }
0x2: {  	[smem:$0x3F98] =	sst lr;
	_ =	strace $0xD0000000  }
0x3: {  	_ = 	snop  }
0x4: {  	_ = 	snop  }
0x5: {  	_ = 	snop  }
0x6: {  	_ = 	snop  }
0x7: {  	_ = 	snop  }
__scs_overlays_trampoline_lowered:
0x8: {  	[smem:$0x3FA7] =	sst s0  }
0x9: {  	[smem:$0x3FA8] =	sst s1  }
0xa: {  	[smem:$0x3FA9] =	sst s2  }
0xb: {  	[smem:$0x3FAA] =	sst s3  }
0xc: {  	[smem:$0x3FAB] =	sst s4  }
0xd: {  	[smem:$0x3FAC] =	sst s5  }
0xe: {  	[smem:$0x3FAD] =	sst s6  }
0xf: {  	[smem:$0x3FAE] =	sst s7  }
0x10: {  	[smem:$0x3FAF] =	sst s8  }
0x11: {  	[smem:$0x3FB0] =	sst s9;
	s0 =	simm.s32 @!p0 $0x0  }
0x12: {  	s1 =	sld [smem:$0x3F96];
	s0 =	simm.s32 @p0 $0x1  }
0x13: {  	[smem:$0x3FB1] =	sst s0;
	s0 =	simm.s32 @!p1 $0x0  }
0x14: {  	s2 =	sld [smem:$0x3F95];
	s0 =	simm.s32 @p1 $0x1  }
0x15: {  	[smem:$0x3FB2] =	sst s0;
	s0 =	simm.s32 @!p2 $0x0  }
0x16: {  	s3 =	sld [smem:$0x3FDB];
	s0 =	simm.s32 @p2 $0x1  }
0x17: {  	s4 =	simm.s32 $0x1BF5;
	[smem:$0x3FB4] =	sst s0  }
0x18: {  	s0 =	sld [smem:$0x3F97];
	_ =	swait.ge [sflag:s4], $0x0  }
0x19: {  	s7 =	sld [smem:$0x3F98]  }
0x1a: {  	s8 =	sadd.s32 $0xFFFFE003, lr  }
0x1b: {  	s9 =	sadd.s32 $0xFFFFFEF7, lr;
	s5 =	simm.s32 $0xFFFFFFFF;
	p2 =	slt.u32 s8, $0xFFFFF086  }
0x1c: {  	p1 =	slt.u32 s9, $0xF7A;
	s5 =	simm.s32 @!p2 $0x0  }
0x1d: {  	s5 =	simm.s32 @p1 $0x1;
	p0 =	seq.s32 s7, s2  }
0x1e: {  	s7 =	smul.u32 @!p0 $0xF7A, s2;
	p2 =	seq.s32 @!p0 s5, $0x0  }
0x1f: {  	s9 =	smul.u32 $0xF7A, s1;
	s8 =	simm.s32 @!p0 $0x1BF5;
	p2 =	por !p2, p0  }
0x20: {  	[sflag:s8] =	ssyncset.s32 @!p0 $0xFFFFF086;
	s6 =	sadd.s32 @!p0 s3, s7;
	s7 =	simm.s32 @!p0 $0x108  }
0x21: {  	s3 =	sadd.s32 s3, s9;
	s6 =	sadd.s32 @!p0 $0x88, s6;
	s7 =	simm.s32 @p2 $0x1082  }
0x22: {  	[simem:s7], [sflag:s8] =	dma.local @!p0 [hbm:s6], $0xF7A  }
0x23: {  	s9 =	sor.u32 $0xD0000000, s2;
	s6 =	simm.s32 $0x108;
	_ =	swait.ge @!p0 [sflag:s8], $0x0  }
0x24: {  	s3 =	sadd.s32 $0x88, s3;
	s6 =	simm.s32 @!p1 $0x1082;
	[sflag:s4] =	ssyncset.s32 $0xFFFFF086  }
0x25: {  	[simem:s6], [sflag:s4] =	dma.local [hbm:s3], $0xF7A  }
0x26: {  	[smem:$0x3F98] =	sst s1;
	(tag) =	ssettag s2;
	_ =	strace s9  }
0x27: {  	s1 =	sld [smem:$0x3FA8]  }
0x28: {  	s2 =	sld [smem:$0x3FA9]  }
0x29: {  	s4 =	sld [smem:$0x3FAB]  }
0x2a: {  	p0 =	seq.s32 s5, $0x0;
	s5 =	sld [smem:$0x3FAC]  }
0x2b: {  	s6 =	sld [smem:$0x3FAD]  }
0x2c: {  	s7 =	sld [smem:$0x3FAE]  }
0x2d: {  	s3 =	simm.s32 $0x108;
	s8 =	sld [smem:$0x3FAF]  }
0x2e: {  	s3 =	simm.s32 @!p0 $0x1082;
	s9 =	sld [smem:$0x3FB0]  }
0x2f: {  	lr =	sadd.s32 s0, s3;
	s0 =	sld [smem:$0x3FA7]  }
0x30: {  	s3 =	sld [smem:$0x3FAA]  }
0x31: {  	[smem:$0x3FB3] =	sst s10  }
0x32: {  	s10 =	sld [smem:$0x3FB1];
	_ =	sdelay $0x3  }
0x33: {  	p0 =	seq.s32 s10, $0x1;
	s10 =	sld [smem:$0x3FB3];
	_ =	sdelay $0x3  }
0x34: {  	[smem:$0x3FB3] =	sst s10  }
0x35: {  	s10 =	sld [smem:$0x3FB2];
	_ =	sdelay $0x3  }
0x36: {  	p1 =	seq.s32 s10, $0x1;
	s10 =	sld [smem:$0x3FB3];
	_ =	sdelay $0x3  }
0x37: {  	[smem:$0x3FB3] =	sst s10  }
0x38: {  	s10 =	sld [smem:$0x3FB4]  }
0x39: {  	_ = 	snop;
	(pc) =	sbr.ind lr, $3  }
0x3a: {  	_ = 	snop  }
0x3b: {  	_ = 	snop  }
0x3c: {  	p2 =	seq.s32 s10, $0x1;
	s10 =	sld [smem:$0x3FB3]  }
0x3d: {  	_ =	shalt  }
0x3e: {  	_ =	shalt  }
0x3f: {  	_ =	shalt  }
0x40: {  	_ =	shalt  }
0x41: {  	_ =	shalt  }
0x42: {  	_ =	shalt  }
0x43: {  	_ =	shalt  }
0x44: {  	_ =	shalt  }
0x45: {  	_ =	shalt  }
0x46: {  	_ =	shalt  }
0x47: {  	_ =	shalt  }
0x48: {  	_ =	shalt  }
0x49: {  	_ =	shalt  }
0x4a: {  	_ =	shalt  }
0x4b: {  	_ =	shalt  }
0x4c: {  	_ =	shalt  }
0x4d: {  	_ =	shalt  }
0x4e: {  	_ =	shalt  }
0x4f: {  	_ =	shalt  }
0x50: {  	_ =	shalt  }
0x51: {  	_ =	shalt  }
0x52: {  	_ =	shalt  }
0x53: {  	_ =	shalt  }
0x54: {  	_ =	shalt  }
0x55: {  	_ =	shalt  }
0x56: {  	_ =	shalt  }
0x57: {  	_ =	shalt  }
0x58: {  	_ =	shalt  }
0x59: {  	_ =	shalt  }
0x5a: {  	_ =	shalt  }
0x5b: {  	_ =	shalt  }
0x5c: {  	_ =	shalt  }
0x5d: {  	_ =	shalt  }
0x5e: {  	_ =	shalt  }
0x5f: {  	_ =	shalt  }
0x60: {  	_ =	shalt  }
0x61: {  	_ =	shalt  }
0x62: {  	_ =	shalt  }
0x63: {  	_ =	shalt  }
0x64: {  	_ =	shalt  }
0x65: {  	_ =	shalt  }
0x66: {  	_ =	shalt  }
0x67: {  	_ =	shalt  }
0x68: {  	_ =	shalt  }
0x69: {  	_ =	shalt  }
0x6a: {  	_ =	shalt  }
0x6b: {  	_ =	shalt  }
0x6c: {  	_ =	shalt  }
0x6d: {  	_ =	shalt  }
0x6e: {  	_ =	shalt  }
0x6f: {  	_ =	shalt  }
0x70: {  	_ =	shalt  }
0x71: {  	_ =	shalt  }
0x72: {  	_ =	shalt  }
0x73: {  	_ =	shalt  }
0x74: {  	_ =	shalt  }
0x75: {  	_ =	shalt  }
0x76: {  	_ =	shalt  }
0x77: {  	_ =	shalt  }
0x78: {  	_ =	shalt  }
0x79: {  	_ =	shalt  }
0x7a: {  	_ =	shalt  }
0x7b: {  	_ =	shalt  }
0x7c: {  	_ =	shalt  }
0x7d: {  	_ =	shalt  }
0x7e: {  	_ =	shalt  }
0x7f: {  	_ =	shalt  }
0x80: {  	_ =	shalt  }
0x81: {  	_ =	shalt  }
0x82: {  	_ =	shalt  }
0x83: {  	_ =	shalt  }
0x84: {  	_ =	shalt  }
0x85: {  	_ =	shalt  }
0x86: {  	_ =	shalt  }
0x87: {  	_ =	shalt  }
.Lfunc_end0:
.L_simem_size_0:
called_computation_lowered:
.L_overlay_start_0:
0x88: {  	s2 =	sld [smem:$0x3FD9]  }
0x89: {  	s3 =	sld [smem:$0x3FFE];
	_ =	sdelay $0x1  }
0x8a: {  	s1 =	srdreg.scid  }
0x8b: {  	s0 =	sand.u32 $0x1, s1  }
0x8c: {  	s17 =	sshll.u32 s0, $0xA;
	s2 =	sadd.s32 s3, s2  }
0x8d: {  	s2 =	sadd.s32 s2, s17  }
0x8e: {  	[smem:$0x3FBF] =	sst s2  }
0x8f: {  	_ = 	snop  }
0x90: {  	s2 =	sld [smem:$0x3FC9]  }
0x91: {  	s18 =	sld [smem:$0x3FD0];
	(tm) =	ssettm $0x1  }
0x92: {  	s4 =	sld [smem:$0x3FFB];
	_ =	sdelay $0x3  }
0x93: {  	_ =	strace s4  }
0x94: {  	s4 =	sld [smem:$0x3FFC];
	_ =	sdelay $0x3  }
0x95: {  	_ =	strace s4  }
0x96: {  	s4 =	sld [smem:$0x3FFD];
	_ =	sdelay $0x3  }
0x97: {  	_ =	strace s4  }
0x98: {  	_ =	strace $0x8FFFFFFF  }
0x99: {  	s19 =	sld [smem:$0x3FDB];
	_ =	sdelay $0x1  }
0x9a: {  	s5 =	simm.s32 $_scs_section_size  }
0x9b: {  	s6 =	simm.s32 $_size__tile_overlayer_lowered;
	s7 =	simm.s32 $_tile_overlayer_lowered  }
0x9c: {  	s22 =	simm.s32 $0x1BFF;
	s21 =	sshll.u32 s7, $0x1;
	s4 =	sadd.s32 s5, s19  }
0x9d: {  	s8 =	simm.s32 $0x0;
	s20 =	sshll.u32 s6, $0x1;
	s6 =	sadd.s32 s21, s4  }
0x9e: {  	[timem:s8], [sflag:s22] =	dma.local [hbm:s6], s20  }
0x9f: {  	_ =	swait.ge [sflag:s22], s20  }
0xa0: {  	s5 =	ssub.s32 $0x0, s20;
	[sflag:s22] =	ssyncset.done $0x0  }
0xa1: {  	[sflag:s22] =	ssyncadd.s32 s5;
	_ =	sdelay $0x1  }
0xa2: {  	s23 =	simm.s32 $0x1B8B  }
0xa3: {  	_ =	swait.ge [sflag:s23], $0x1  }
0xa4: {  	[sflag:s23] =	ssyncset.done $0x0  }
0xa5: {  	s25 =	simm.s32 $0x1B8E;
	s24 =	sld [smem:$0x3FFE];
	[sflag:s23] =	ssyncadd.s32 $0xFFFFFFFF  }
0xa6: {  	s26 =	simm.s32 $execute0_lowered;
	[smem:$0x3FD2] =	sst s25  }
0xa7: {  	s6 =	sshll.u32 s26, $0x1;
	_ =	strace $0x80000046;
	[dreg:$0x1] =	wrdreg $0xFFFFFFFF  }
0xa8: {  	s28 =	simm.s32 $_size_execute0_lowered;
	s4 =	sadd.s32 s4, s6;
	[dreg:$0x0] =	wrdreg $0x0  }
0xa9: {  	s6 =	sshll.u32 s28, $0x1;
	[dreg:$0x2] =	wrdreg s4  }
0xaa: {  	[dreg:$0x3] =	wrdreg s6  }
0xab: {  	[dreg:$0x4] =	wrdreg $0xC0  }
0xac: {  	_ =	task [dreg:s8], $0x5FFFF  }
0xad: {  	[dreg:$0x1] =	wrdreg $0xFFFFFFFF  }
0xae: {  	[dreg:$0x0] =	wrdreg $0x60  }
0xaf: {  	[dreg:$0x2] =	wrdreg s2  }
0xb0: {  	[dreg:$0x3] =	wrdreg s18  }
0xb1: {  	[dreg:$0x4] =	wrdreg s24  }
0xb2: {  	[dreg:$0x5] =	wrdreg $0x9  }
0xb3: {  	_ =	task.clear_ibuf [dreg:s8], $0x6FFFF;
	_ =	strace $0x90000046  }
0xb4: {  	s29 =	simm.s32 $0x9;
	_ =	strace $0x80000048  }
0xb5: {  	_ =	swait.ge [sflag:s29], $0x1  }
0xb6: {  	[sflag:s29] =	ssyncadd.s32 $0xFFFFFFFF  }
0xb7: {  	_ =	strace $0x90000048  }
0xb8: {  	_ =	sfence  }
0xb9: {  	s30 =	sld [smem:$0x0];
	_ =	sdelay $0x2  }
0xba: {  	s31 =	sshll.u32 s1, $0xD;
	s1 =	sshrl.u32 s1, $0x2  }
0xbb: {  	s3 =	sand.u32 $0x4000, s31;
	s1 =	sadd.s32 s1, s30  }
0xbc: {  	s0 =	sor.u32 s3, s0;
	s1 =	sshll.u32 s1, $0x11  }
0xbd: {  	s0 =	sor.u32 s1, s0  }
0xbe: {  	s0 =	sadd.s32 $0x8F2B, s0  }
0xbf: {  	[sflag:s0] =	ssyncadd.remote.s32 $0x1  }
0xc0: {  	_ =	sfence.sel $0xFFFF  }
0xc1: {  	[dreg:$0x0] =	wrdreg $0xFFFFFFFF;
	(pc) =	sbr.abs _section_cstart, $3  }
0xc2: {  	[dreg:$0x1] =	wrdreg $0xFFFFFFFF  }
0xc3: {  	_ =	task.clear_ibuf [dreg:s8], $0x2FFFF;
	_ =	strace $0x9FFFFFFF  }
0xc4: {  	(tm) =	ssettm $0x7FFFFFFF  }
0xc5: {  	_ =	shalt  }
tec
execute0_lowered:
.L_overlay_start_1:
0x0: {  	(tag) =	ssettag $0x1  }
0x1: {  	s0 =	rddreg [dreg:$0x0]  }
0x2: {  	s1 =	rddreg [dreg:$0x1]  }
0x3: {  	s2 =	srdreg.scid;
	s3 =	stileid.u32  }
0x4: {  	s4 =	rddreg [dreg:$0x2];
	s26 =	simm.s32 $0x80;
	s9 =	simm.s32 $0x2  }
0x5: {  	s19 =	simm.s32 $0x1;
	s22 =	simm.s32 $0x1900;
	s28 =	simm.s32 $0x4100  }
0x6: {  	s29 =	simm.s32 $0x4900;
	s30 =	simm.s32 $0x5100;
	s31 =	simm.s32 $0x5900  }
0x7: {  	s11 =	simm.s32 $0x7900;
	s12 =	simm.s32 $0x8100;
	s13 =	simm.s32 $0x8900  }
0x8: {  	s14 =	simm.s32 $0x9100;
	s15 =	simm.s32 $0x9900;
	s16 =	simm.s32 $0xA100  }
0x9: {  	s17 =	simm.s32 $0xA900;
	s18 =	simm.s32 $0xB100;
	s10 =	simm.s32 $0xB900  }
0xa: {  	s5 =	sand.u32 $0x1, s2;
	s3 =	sshll.u32 s3, $0x1;
	s2 =	simm.s32 $0x0  }
0xb: {  	s6 =	sor.u32 s5, s3;
	[smem:$0x7FF] =	sst s2;
	s3 =	sadd.s32 $0x1C00, s4  }
0xc: {  	s23 =	ssub.s32 $0x2, s5;
	s5 =	sadd.s32 $0x1D00, s4;
	s7 =	sshll.u32 s6, $0x5  }
0xd: {  	_ =	strace $0x80000047;
	s6 =	sshll.u32 s6, $0xD;
	s25 =	sshrl.u32 s23, $0x1  }
0xe: {  	[dreg:$0x6] =	wrdreg s26;
	s26 =	simm.s32 $0x3900;
	s7 =	sadd.s32 s1, s7  }
0xf: {  	s0 =	sadd.s32 s0, s6;
	s1 =	ssub.s32 s23, s25;
	s6 =	sadd.s32 $0x1E00, s4  }
0x10: {  	v2 =	vlaneseq.u32;
	s23 =	simm.s32 $0x2100;
	s25 =	simm.s32 $0x3100;
	[dreg:$0x7] =	wrdreg s7  }
0x11: {  	vm0 =	vmmov $0xffff;
	v1 =	vshrl.u32 v2, $0x3;
	s24 =	sadd.s32 $0x10, s7;
	[dreg:$0x5] =	wrdreg s0;
	s7 =	sadd.s32 $0x1F00, s4  }
0x12: {  	v0 =	vand.u32 $0x7, v2;
	v2 =	vor.u32 $0x8, v2;
	v1 =	vmul.u32 $0x8, v1;
	s8 =	smax.u32 s1, $0x1;
	[dreg:$0x4] =	wrdreg s24;
	s24 =	simm.s32 $0x2900  }
.LBB2_1:
0x13: {  	s20 =	rddreg [dreg:$0x7]  }
0x14: {  	[tilespmem:s2], [sflag:$0x2] =	stream.linear.gather [hbm4b:s20+s2], $0x80, $0x38;
	[tilespmem:$0x10100] =	vst v63  }
0x15: {  	_ =	swait.ge [sflag:s9], $0x80  }
0x16: {  	s1 =	rddreg [dreg:$0x4];
	[sflag:s9] =	ssyncset.done $0x0  }
0x17: {  	s21 =	rddreg [dreg:$0x6];
	[sflag:s9] =	ssyncadd.s32 $0xFFFFFF80  }
0x18: {  	[tilespmem:s21], [sflag:$0x2] =	stream.linear.gather [hbm4b:s1+s2], $0x80, $0x38;
	[tilespmem:$0x10100] =	vst v63  }
0x19: {  	_ =	swait.ge [sflag:s9], $0x80  }
0x1a: {  	[sflag:s9] =	ssyncset.done $0x0  }
0x1b: {  	s0 =	simm.s32 $0x100;
	s4 =	rddreg [dreg:$0x5];
	[sflag:s9] =	ssyncadd.s32 $0xFFFFFF80  }
0x1c: {  	[tilespmem:s0], [sflag:$0x2] =	stream.linear.gather [hbm4b:s4+s2], $0x10000, $0x38;
	[tilespmem:$0x10100] =	vst v63  }
0x1d: {  	_ =	swait.ge [sflag:s9], $0x10000  }
0x1e: {  	[sflag:s9] =	ssyncset.done $0x0  }
0x1f: {  	[sflag:s9] =	ssyncadd.s32 $0xFFFF0000  }
0x20: {  	v3 =	vld [tilespmem:$0x0];
	_ =	sdelay $0x4  }
0x21: {  	v4 =	vshll.u32 v3, $0x3  }
0x22: {  	v3 =	vand.u32 $0x7, v3;
	v4 =	vand.u32 $0xFFFFFFC0, v4  }
0x23: {  	v3 =	vor.u32 v3, v4  }
0x24: {  	v4 =	vperm.xlane v3, v0;
	_ =	sdelay $0x1  }
0x25: {  	v4 =	vadd.s32 v1, v4;
	_ =	sdelay $0x4  }
0x26: {  	[hbm4b:s3+s2] =	stream.indirect_vreg.scatter [tilespmem:s0], [sflag:$0x1], $0x80, v4, vm0, $0xb8;
	[tilespmem:$0x10100] =	vst v63  }
0x27: {  	s20 =	simm.s32 $0x900;
	v3 =	vperm.xlane v3, v2  }
0x28: {  	[hbm4b:s5+s2] =	stream.indirect_vreg.scatter [tilespmem:s20], [sflag:$0x1], $0x80, v4, vm0, $0xb8;
	[tilespmem:$0x10100] =	vst v63  }
0x29: {  	s21 =	simm.s32 $0x1100;
	v3 =	vadd.s32 v1, v3  }
0x2a: {  	[hbm4b:s6+s2] =	stream.indirect_vreg.scatter [tilespmem:s21], [sflag:$0x1], $0x80, v4, vm0, $0xb8;
	[tilespmem:$0x10100] =	vst v63  }
0x2b: {  	_ = 	snop  }
0x2c: {  	[hbm4b:s7+s2] =	stream.indirect_vreg.scatter [tilespmem:s22], [sflag:$0x1], $0x80, v4, vm0, $0xb8;
	[tilespmem:$0x10100] =	vst v63  }
0x2d: {  	_ = 	snop  }
0x2e: {  	[hbm4b:s3+s2] =	stream.indirect_vreg.scatter [tilespmem:s23], [sflag:$0x1], $0x80, v3, vm0, $0xb8;
	[tilespmem:$0x10100] =	vst v63  }
0x2f: {  	_ = 	snop  }
0x30: {  	[hbm4b:s5+s2] =	stream.indirect_vreg.scatter [tilespmem:s24], [sflag:$0x1], $0x80, v3, vm0, $0xb8;
	[tilespmem:$0x10100] =	vst v63  }
0x31: {  	_ = 	snop  }
0x32: {  	[hbm4b:s6+s2] =	stream.indirect_vreg.scatter [tilespmem:s25], [sflag:$0x1], $0x80, v3, vm0, $0xb8;
	[tilespmem:$0x10100] =	vst v63  }
0x33: {  	_ = 	snop  }
0x34: {  	[hbm4b:s7+s2] =	stream.indirect_vreg.scatter [tilespmem:s26], [sflag:$0x1], $0x80, v3, vm0, $0xb8;
	[tilespmem:$0x10100] =	vst v63  }
0x35: {  	v3 =	vld [tilespmem:$0x10];
	_ =	sdelay $0x4  }
0x36: {  	v57 =	vshll.u32 v3, $0x3  }
0x37: {  	v3 =	vand.u32 $0x7, v3;
	v4 =	vand.u32 $0xFFFFFFC0, v57  }
0x38: {  	v3 =	vor.u32 v3, v4  }
0x39: {  	v4 =	vperm.xlane v3, v0;
	_ =	sdelay $0x1  }
0x3a: {  	v4 =	vadd.s32 v1, v4;
	_ =	sdelay $0x4  }
0x3b: {  	[hbm4b:s3+s2] =	stream.indirect_vreg.scatter [tilespmem:s28], [sflag:$0x1], $0x80, v4, vm0, $0xb8;
	[tilespmem:$0x10100] =	vst v63  }
0x3c: {  	v3 =	vperm.xlane v3, v2  }
0x3d: {  	[hbm4b:s5+s2] =	stream.indirect_vreg.scatter [tilespmem:s29], [sflag:$0x1], $0x80, v4, vm0, $0xb8;
	[tilespmem:$0x10100] =	vst v63  }
0x3e: {  	v3 =	vadd.s32 v1, v3  }
0x3f: {  	[hbm4b:s6+s2] =	stream.indirect_vreg.scatter [tilespmem:s30], [sflag:$0x1], $0x80, v4, vm0, $0xb8;
	[tilespmem:$0x10100] =	vst v63  }
0x40: {  	_ = 	snop  }
0x41: {  	[hbm4b:s7+s2] =	stream.indirect_vreg.scatter [tilespmem:s31], [sflag:$0x1], $0x80, v4, vm0, $0xb8;
	[tilespmem:$0x10100] =	vst v63  }
0x42: {  	s1 =	simm.s32 $0x6100  }
0x43: {  	[hbm4b:s3+s2] =	stream.indirect_vreg.scatter [tilespmem:s1], [sflag:$0x1], $0x80, v3, vm0, $0xb8;
	[tilespmem:$0x10100] =	vst v63  }
0x44: {  	s4 =	simm.s32 $0x6900  }
0x45: {  	[hbm4b:s5+s2] =	stream.indirect_vreg.scatter [tilespmem:s4], [sflag:$0x1], $0x80, v3, vm0, $0xb8;
	[tilespmem:$0x10100] =	vst v63  }
0x46: {  	s4 =	simm.s32 $0x7100  }
0x47: {  	[hbm4b:s6+s2] =	stream.indirect_vreg.scatter [tilespmem:s4], [sflag:$0x1], $0x80, v3, vm0, $0xb8;
	[tilespmem:$0x10100] =	vst v63  }
0x48: {  	_ = 	snop  }
0x49: {  	[hbm4b:s7+s2] =	stream.indirect_vreg.scatter [tilespmem:s11], [sflag:$0x1], $0x80, v3, vm0, $0xb8;
	[tilespmem:$0x10100] =	vst v63  }
0x4a: {  	v3 =	vld [tilespmem:$0x20];
	_ =	sdelay $0x4  }
0x4b: {  	v58 =	vshll.u32 v3, $0x3  }
0x4c: {  	v3 =	vand.u32 $0x7, v3;
	v4 =	vand.u32 $0xFFFFFFC0, v58  }
0x4d: {  	v3 =	vor.u32 v3, v4  }
0x4e: {  	v4 =	vperm.xlane v3, v0;
	_ =	sdelay $0x1  }
0x4f: {  	v4 =	vadd.s32 v1, v4;
	_ =	sdelay $0x4  }
0x50: {  	[hbm4b:s3+s2] =	stream.indirect_vreg.scatter [tilespmem:s12], [sflag:$0x1], $0x80, v4, vm0, $0xb8;
	[tilespmem:$0x10100] =	vst v63  }
0x51: {  	v3 =	vperm.xlane v3, v2  }
0x52: {  	[hbm4b:s5+s2] =	stream.indirect_vreg.scatter [tilespmem:s13], [sflag:$0x1], $0x80, v4, vm0, $0xb8;
	[tilespmem:$0x10100] =	vst v63  }
0x53: {  	v3 =	vadd.s32 v1, v3  }
0x54: {  	[hbm4b:s6+s2] =	stream.indirect_vreg.scatter [tilespmem:s14], [sflag:$0x1], $0x80, v4, vm0, $0xb8;
	[tilespmem:$0x10100] =	vst v63  }
0x55: {  	_ = 	snop  }
0x56: {  	[hbm4b:s7+s2] =	stream.indirect_vreg.scatter [tilespmem:s15], [sflag:$0x1], $0x80, v4, vm0, $0xb8;
	[tilespmem:$0x10100] =	vst v63  }
0x57: {  	_ = 	snop  }
0x58: {  	[hbm4b:s3+s2] =	stream.indirect_vreg.scatter [tilespmem:s16], [sflag:$0x1], $0x80, v3, vm0, $0xb8;
	[tilespmem:$0x10100] =	vst v63  }
0x59: {  	_ = 	snop  }
0x5a: {  	[hbm4b:s5+s2] =	stream.indirect_vreg.scatter [tilespmem:s17], [sflag:$0x1], $0x80, v3, vm0, $0xb8;
	[tilespmem:$0x10100] =	vst v63  }
0x5b: {  	_ = 	snop  }
0x5c: {  	[hbm4b:s6+s2] =	stream.indirect_vreg.scatter [tilespmem:s18], [sflag:$0x1], $0x80, v3, vm0, $0xb8;
	[tilespmem:$0x10100] =	vst v63  }
0x5d: {  	_ = 	snop  }
0x5e: {  	[hbm4b:s7+s2] =	stream.indirect_vreg.scatter [tilespmem:s10], [sflag:$0x1], $0x80, v3, vm0, $0xb8;
	[tilespmem:$0x10100] =	vst v63  }
0x5f: {  	v3 =	vld [tilespmem:$0x30];
	_ =	sdelay $0x4  }
0x60: {  	v59 =	vshll.u32 v3, $0x3  }
0x61: {  	v3 =	vand.u32 $0x7, v3;
	v4 =	vand.u32 $0xFFFFFFC0, v59  }
0x62: {  	v3 =	vor.u32 v3, v4  }
0x63: {  	v4 =	vperm.xlane v3, v0;
	_ =	sdelay $0x1  }
0x64: {  	v4 =	vadd.s32 v1, v4;
	_ =	sdelay $0x3  }
0x65: {  	s1 =	simm.s32 $0xC100  }
0x66: {  	[hbm4b:s3+s2] =	stream.indirect_vreg.scatter [tilespmem:s1], [sflag:$0x1], $0x80, v4, vm0, $0xb8;
	[tilespmem:$0x10100] =	vst v63  }
0x67: {  	v3 =	vperm.xlane v3, v2;
	s1 =	simm.s32 $0xC900  }
0x68: {  	[hbm4b:s5+s2] =	stream.indirect_vreg.scatter [tilespmem:s1], [sflag:$0x1], $0x80, v4, vm0, $0xb8;
	[tilespmem:$0x10100] =	vst v63  }
0x69: {  	v3 =	vadd.s32 v1, v3;
	s1 =	simm.s32 $0xD100  }
0x6a: {  	[hbm4b:s6+s2] =	stream.indirect_vreg.scatter [tilespmem:s1], [sflag:$0x1], $0x80, v4, vm0, $0xb8;
	[tilespmem:$0x10100] =	vst v63  }
0x6b: {  	s1 =	simm.s32 $0xD900  }
0x6c: {  	[hbm4b:s7+s2] =	stream.indirect_vreg.scatter [tilespmem:s1], [sflag:$0x1], $0x80, v4, vm0, $0xb8;
	[tilespmem:$0x10100] =	vst v63  }
0x6d: {  	s1 =	simm.s32 $0xE100  }
0x6e: {  	[hbm4b:s3+s2] =	stream.indirect_vreg.scatter [tilespmem:s1], [sflag:$0x1], $0x80, v3, vm0, $0xb8;
	[tilespmem:$0x10100] =	vst v63  }
0x6f: {  	s1 =	simm.s32 $0xE900  }
0x70: {  	[hbm4b:s5+s2] =	stream.indirect_vreg.scatter [tilespmem:s1], [sflag:$0x1], $0x80, v3, vm0, $0xb8;
	[tilespmem:$0x10100] =	vst v63  }
0x71: {  	s1 =	simm.s32 $0xF100  }
0x72: {  	[hbm4b:s6+s2] =	stream.indirect_vreg.scatter [tilespmem:s1], [sflag:$0x1], $0x80, v3, vm0, $0xb8;
	[tilespmem:$0x10100] =	vst v63  }
0x73: {  	s1 =	simm.s32 $0xF900  }
0x74: {  	[hbm4b:s7+s2] =	stream.indirect_vreg.scatter [tilespmem:s1], [sflag:$0x1], $0x80, v3, vm0, $0xb8;
	[tilespmem:$0x10100] =	vst v63  }
0x75: {  	_ =	swait.ge [sflag:s19], $0x10000  }
0x76: {  	[sflag:s19] =	ssyncset.done $0x0  }
0x77: {  	[sflag:s19] =	ssyncadd.s32 $0xFFFF0000  }
0x78: {  	v3 =	vld [tilespmem:$0x80];
	_ =	sdelay $0x4  }
0x79: {  	v60 =	vshll.u32 v3, $0x3  }
0x7a: {  	v3 =	vand.u32 $0x7, v3;
	v4 =	vand.u32 $0xFFFFFFC0, v60  }
0x7b: {  	v3 =	vor.u32 v3, v4  }
0x7c: {  	v4 =	vperm.xlane v3, v0;
	_ =	sdelay $0x1  }
0x7d: {  	v4 =	vadd.s32 v1, v4;
	_ =	sdelay $0x4  }
0x7e: {  	[hbm4b:s3+s2] =	stream.indirect_vreg.scatter [tilespmem:s0], [sflag:$0x1], $0x80, v4, vm0, $0xb8;
	[tilespmem:$0x10100] =	vst v63  }
0x7f: {  	v3 =	vperm.xlane v3, v2  }
0x80: {  	[hbm4b:s5+s2] =	stream.indirect_vreg.scatter [tilespmem:s20], [sflag:$0x1], $0x80, v4, vm0, $0xb8;
	[tilespmem:$0x10100] =	vst v63  }
0x81: {  	v3 =	vadd.s32 v1, v3  }
0x82: {  	[hbm4b:s6+s2] =	stream.indirect_vreg.scatter [tilespmem:s21], [sflag:$0x1], $0x80, v4, vm0, $0xb8;
	[tilespmem:$0x10100] =	vst v63  }
0x83: {  	_ = 	snop  }
0x84: {  	[hbm4b:s7+s2] =	stream.indirect_vreg.scatter [tilespmem:s22], [sflag:$0x1], $0x80, v4, vm0, $0xb8;
	[tilespmem:$0x10100] =	vst v63  }
0x85: {  	_ = 	snop  }
0x86: {  	[hbm4b:s3+s2] =	stream.indirect_vreg.scatter [tilespmem:s23], [sflag:$0x1], $0x80, v3, vm0, $0xb8;
	[tilespmem:$0x10100] =	vst v63  }
0x87: {  	_ = 	snop  }
0x88: {  	[hbm4b:s5+s2] =	stream.indirect_vreg.scatter [tilespmem:s24], [sflag:$0x1], $0x80, v3, vm0, $0xb8;
	[tilespmem:$0x10100] =	vst v63  }
0x89: {  	_ = 	snop  }
0x8a: {  	[hbm4b:s6+s2] =	stream.indirect_vreg.scatter [tilespmem:s25], [sflag:$0x1], $0x80, v3, vm0, $0xb8;
	[tilespmem:$0x10100] =	vst v63  }
0x8b: {  	_ = 	snop  }
0x8c: {  	[hbm4b:s7+s2] =	stream.indirect_vreg.scatter [tilespmem:s26], [sflag:$0x1], $0x80, v3, vm0, $0xb8;
	[tilespmem:$0x10100] =	vst v63  }
0x8d: {  	v3 =	vld [tilespmem:$0x90];
	_ =	sdelay $0x4  }
0x8e: {  	v61 =	vshll.u32 v3, $0x3  }
0x8f: {  	v3 =	vand.u32 $0x7, v3;
	v4 =	vand.u32 $0xFFFFFFC0, v61  }
0x90: {  	v3 =	vor.u32 v3, v4  }
0x91: {  	v4 =	vperm.xlane v3, v0;
	_ =	sdelay $0x1  }
0x92: {  	v4 =	vadd.s32 v1, v4;
	_ =	sdelay $0x4  }
0x93: {  	[hbm4b:s3+s2] =	stream.indirect_vreg.scatter [tilespmem:s28], [sflag:$0x1], $0x80, v4, vm0, $0xb8;
	[tilespmem:$0x10100] =	vst v63  }
0x94: {  	v3 =	vperm.xlane v3, v2  }
0x95: {  	[hbm4b:s5+s2] =	stream.indirect_vreg.scatter [tilespmem:s29], [sflag:$0x1], $0x80, v4, vm0, $0xb8;
	[tilespmem:$0x10100] =	vst v63  }
0x96: {  	v3 =	vadd.s32 v1, v3  }
0x97: {  	[hbm4b:s6+s2] =	stream.indirect_vreg.scatter [tilespmem:s30], [sflag:$0x1], $0x80, v4, vm0, $0xb8;
	[tilespmem:$0x10100] =	vst v63  }
0x98: {  	_ = 	snop  }
0x99: {  	[hbm4b:s7+s2] =	stream.indirect_vreg.scatter [tilespmem:s31], [sflag:$0x1], $0x80, v4, vm0, $0xb8;
	[tilespmem:$0x10100] =	vst v63  }
0x9a: {  	s21 =	simm.s32 $0x6100  }
0x9b: {  	[hbm4b:s3+s2] =	stream.indirect_vreg.scatter [tilespmem:s21], [sflag:$0x1], $0x80, v3, vm0, $0xb8;
	[tilespmem:$0x10100] =	vst v63  }
0x9c: {  	s20 =	simm.s32 $0x6900  }
0x9d: {  	[hbm4b:s5+s2] =	stream.indirect_vreg.scatter [tilespmem:s20], [sflag:$0x1], $0x80, v3, vm0, $0xb8;
	[tilespmem:$0x10100] =	vst v63  }
0x9e: {  	_ = 	snop  }
0x9f: {  	[hbm4b:s6+s2] =	stream.indirect_vreg.scatter [tilespmem:s4], [sflag:$0x1], $0x80, v3, vm0, $0xb8;
	[tilespmem:$0x10100] =	vst v63  }
0xa0: {  	_ = 	snop  }
0xa1: {  	[hbm4b:s7+s2] =	stream.indirect_vreg.scatter [tilespmem:s11], [sflag:$0x1], $0x80, v3, vm0, $0xb8;
	[tilespmem:$0x10100] =	vst v63  }
0xa2: {  	v3 =	vld [tilespmem:$0xA0];
	_ =	sdelay $0x4  }
0xa3: {  	v62 =	vshll.u32 v3, $0x3  }
0xa4: {  	v3 =	vand.u32 $0x7, v3;
	v4 =	vand.u32 $0xFFFFFFC0, v62  }
0xa5: {  	v3 =	vor.u32 v3, v4  }
0xa6: {  	v4 =	vperm.xlane v3, v0;
	_ =	sdelay $0x1  }
0xa7: {  	v4 =	vadd.s32 v1, v4;
	_ =	sdelay $0x4  }
0xa8: {  	[hbm4b:s3+s2] =	stream.indirect_vreg.scatter [tilespmem:s12], [sflag:$0x1], $0x80, v4, vm0, $0xb8;
	[tilespmem:$0x10100] =	vst v63  }
0xa9: {  	v3 =	vperm.xlane v3, v2  }
0xaa: {  	[hbm4b:s5+s2] =	stream.indirect_vreg.scatter [tilespmem:s13], [sflag:$0x1], $0x80, v4, vm0, $0xb8;
	[tilespmem:$0x10100] =	vst v63  }
0xab: {  	v3 =	vadd.s32 v1, v3  }
0xac: {  	[hbm4b:s6+s2] =	stream.indirect_vreg.scatter [tilespmem:s14], [sflag:$0x1], $0x80, v4, vm0, $0xb8;
	[tilespmem:$0x10100] =	vst v63  }
0xad: {  	_ = 	snop  }
0xae: {  	[hbm4b:s7+s2] =	stream.indirect_vreg.scatter [tilespmem:s15], [sflag:$0x1], $0x80, v4, vm0, $0xb8;
	[tilespmem:$0x10100] =	vst v63  }
0xaf: {  	_ = 	snop  }
0xb0: {  	[hbm4b:s3+s2] =	stream.indirect_vreg.scatter [tilespmem:s16], [sflag:$0x1], $0x80, v3, vm0, $0xb8;
	[tilespmem:$0x10100] =	vst v63  }
0xb1: {  	_ = 	snop  }
0xb2: {  	[hbm4b:s5+s2] =	stream.indirect_vreg.scatter [tilespmem:s17], [sflag:$0x1], $0x80, v3, vm0, $0xb8;
	[tilespmem:$0x10100] =	vst v63  }
0xb3: {  	_ = 	snop  }
0xb4: {  	[hbm4b:s6+s2] =	stream.indirect_vreg.scatter [tilespmem:s18], [sflag:$0x1], $0x80, v3, vm0, $0xb8;
	[tilespmem:$0x10100] =	vst v63  }
0xb5: {  	_ = 	snop  }
0xb6: {  	[hbm4b:s7+s2] =	stream.indirect_vreg.scatter [tilespmem:s10], [sflag:$0x1], $0x80, v3, vm0, $0xb8;
	[tilespmem:$0x10100] =	vst v63  }
0xb7: {  	v3 =	vld [tilespmem:$0xB0];
	_ =	sdelay $0x4  }
0xb8: {  	v63 =	vshll.u32 v3, $0x3  }
0xb9: {  	v3 =	vand.u32 $0x7, v3;
	v4 =	vand.u32 $0xFFFFFFC0, v63  }
0xba: {  	v3 =	vor.u32 v3, v4  }
0xbb: {  	v4 =	vperm.xlane v3, v0;
	_ =	sdelay $0x1  }
0xbc: {  	v4 =	vadd.s32 v1, v4;
	_ =	sdelay $0x3  }
0xbd: {  	s21 =	simm.s32 $0xC100  }
0xbe: {  	[hbm4b:s3+s2] =	stream.indirect_vreg.scatter [tilespmem:s21], [sflag:$0x1], $0x80, v4, vm0, $0xb8;
	[tilespmem:$0x10100] =	vst v63  }
0xbf: {  	s4 =	simm.s32 $0xC900;
	v3 =	vperm.xlane v3, v2  }
0xc0: {  	[hbm4b:s5+s2] =	stream.indirect_vreg.scatter [tilespmem:s4], [sflag:$0x1], $0x80, v4, vm0, $0xb8;
	[tilespmem:$0x10100] =	vst v63  }
0xc1: {  	s20 =	simm.s32 $0xD100;
	v3 =	vadd.s32 v1, v3  }
0xc2: {  	[hbm4b:s6+s2] =	stream.indirect_vreg.scatter [tilespmem:s20], [sflag:$0x1], $0x80, v4, vm0, $0xb8;
	[tilespmem:$0x10100] =	vst v63  }
0xc3: {  	s21 =	simm.s32 $0xD900  }
0xc4: {  	[hbm4b:s7+s2] =	stream.indirect_vreg.scatter [tilespmem:s21], [sflag:$0x1], $0x80, v4, vm0, $0xb8;
	[tilespmem:$0x10100] =	vst v63  }
0xc5: {  	s4 =	simm.s32 $0xE100  }
0xc6: {  	[hbm4b:s3+s2] =	stream.indirect_vreg.scatter [tilespmem:s4], [sflag:$0x1], $0x80, v3, vm0, $0xb8;
	[tilespmem:$0x10100] =	vst v63  }
0xc7: {  	s20 =	simm.s32 $0xE900  }
0xc8: {  	[hbm4b:s5+s2] =	stream.indirect_vreg.scatter [tilespmem:s20], [sflag:$0x1], $0x80, v3, vm0, $0xb8;
	[tilespmem:$0x10100] =	vst v63  }
0xc9: {  	p0 =	sne.s32 s8, $0x1;
	s21 =	simm.s32 $0xF100  }
0xca: {  	[hbm4b:s6+s2] =	stream.indirect_vreg.scatter [tilespmem:s21], [sflag:$0x1], $0x80, v3, vm0, $0xb8;
	[tilespmem:$0x10100] =	vst v63  }
.Ltmp0:
0xcb: {  	_ = 	snop;
	(pc) =	sbr.rel @p0 .LBB2_1-.Ltmp0, $4  }
0xcc: {  	[hbm4b:s7+s2] =	stream.indirect_vreg.scatter [tilespmem:s1], [sflag:$0x1], $0x80, v3, vm0, $0xb8;
	[tilespmem:$0x10100] =	vst v63  }
0xcd: {  	_ =	swait.ge [sflag:s19], $0x10000  }
0xce: {  	[sflag:s19] =	ssyncset.done $0x0  }
0xcf: {  	s8 =	sadd.s32 $0xFFFFFFFF, s8;
	[sflag:s19] =	ssyncadd.s32 $0xFFFF0000  }
0xd0: {  	_ =	sfence.sel $0x180000  }
0xd1: {  	[bflag:$0x0] =	sbarrier.arrive $0xFFFF  }
0xd2: {  	_ =	strace $0x90000047  }
0xd3: {  	s0 =	stileid.u32;
	[bflag:$0x2] =	sbarrier.arrive $0xFFFF  }
0xd4: {  	p0 =	sne.s32 s0, $0x0;
	s0 =	rddreg [dreg:$0x3]  }
0xd5: {  	s0 =	sadd.s32 @!p0 $0x100000, s0  }
0xd6: {  	[sflag:s0] =	ssyncadd.tile.s32 @!p0 $0x1;
	_ =	shalt  }
.Lfunc_end2:
_tile_overlayer_lowered:
.L_overlay_start_2:
0xd7: {  	(tag) =	ssettag $0x2  }
0xd8: {  	s0 =	rddreg [dreg:$0x0];
	s2 =	stileid.u32  }
0xd9: {  	s1 =	rddreg [dreg:$0x1];
	p0 =	sne.s32 s2, $0x0  }
0xda: {  	s3 =	rddreg [dreg:$0x2];
	[bflag:$0x3] =	sbarrier.arrive $0xFFFF;
	s2 =	simm.s32 @!p0 $0x1C02  }
0xdb: {  	[timem:s3], [sflag:s2] =	dma.local @!p0 [hbm:s0], s1  }
0xdc: {  	s0 =	simm.s32 @!p0 $0x2  }
0xdd: {  	_ =	swait.ge @!p0 [sflag:s0], s1  }
0xde: {  	s1 =	ssub.s32 @!p0 $0x0, s1;
	[sflag:s0] =	ssyncset.done @!p0 $0x0  }
0xdf: {  	[sflag:s0] =	ssyncadd.s32 @!p0 s1  }
0xe0: {  	[bflag:$0x3] =	sbarrier.arrive $0xFFFF  }
0xe1: {  	_ =	shalt  }

</sc_bundles>
